<compile_context>
chip_gen: v7x
topology: tpu7x:2x2x1
jax: 0.10.2.dev20260603
libtpu: 0.0.44.dev20260713+nightly
codegen_flags: <defaults>
</compile_context>

<pallas_src>
import functools

import jax
import jax.numpy as jnp
from jax import lax
from jax.experimental import pallas as pl
from jax.experimental.pallas import tpu as pltpu
from jax.experimental.pallas import tpu_sc as plsc

VOCAB = 1000000
D = 64
B = 16384 * 50

_info = plsc.get_sparse_core_info()
NC, NS = _info.num_cores, _info.num_subcores
NW = NC * NS
B_PER_W = B // NW
CHUNK = 320
N_CHUNKS = B_PER_W // CHUNK
NBUF = 4
N_BLOCKS = N_CHUNKS // NBUF


@functools.partial(
    pl.kernel,
    mesh=plsc.VectorSubcoreMesh(core_axis_name="c", subcore_axis_name="s"),
    out_type=jax.ShapeDtypeStruct((B, D), jnp.float32),
    scratch_types=[
        pltpu.VMEM((B_PER_W,), jnp.int32),
        [pltpu.VMEM((CHUNK, D), jnp.float32) for _ in range(NBUF)],
        [pltpu.SemaphoreType.DMA for _ in range(NBUF)],
        [pltpu.SemaphoreType.DMA for _ in range(NBUF)],
    ],
    compiler_params=pltpu.CompilerParams(use_tc_tiling_on_sc=False),
)
def _gather_kernel(table_hbm, idx_hbm, out_hbm, idx_all, rows, sg, so):
    wid = lax.axis_index("s") * NC + lax.axis_index("c")
    base = wid * B_PER_W
    pltpu.sync_copy(idx_hbm.at[pl.ds(base, B_PER_W)], idx_all)

    def remap_body(g, carry):
        v = idx_all[pl.ds(g * 16, 16)]
        p = (v & (-128)) + ((v & 63) << 1) + ((v >> 6) & 1)
        idx_all[pl.ds(g * 16, 16)] = p
        return carry

    lax.fori_loop(0, B_PER_W // 16, remap_body, 0)

    def fire_gather(c, b):
        pltpu.async_copy(
            table_hbm.at[idx_all.at[pl.ds(c * CHUNK, CHUNK)]], rows[b], sg[b]
        )

    def wait_gather(b):
        pltpu.make_async_copy(
            out_hbm.at[pl.ds(base, CHUNK)], rows[b], sg[b]
        ).wait()

    def fire_write(c, b):
        pltpu.async_copy(rows[b], out_hbm.at[pl.ds(base + c * CHUNK, CHUNK)], so[b])

    def wait_write(b):
        pltpu.make_async_copy(
            rows[b], out_hbm.at[pl.ds(base, CHUNK)], so[b]
        ).wait()

    fire_gather(0, 0)
    fire_gather(1, 1)

    wait_gather(0)
    fire_write(0, 0)
    fire_gather(2, 2)
    wait_gather(1)
    fire_write(1, 1)
    fire_gather(3, 3)
    wait_gather(2)
    fire_write(2, 2)
    wait_write(0)
    fire_gather(4, 0)
    wait_gather(3)
    fire_write(3, 3)
    wait_write(1)
    fire_gather(5, 1)

    def body(i, carry):
        c0 = i * NBUF
        for b in range(NBUF):
            wait_gather(b)
            fire_write(c0 + b, b)
            wait_write((b + 2) % NBUF)
            fire_gather(c0 + b + 2, (b + 2) % NBUF)
        return carry

    lax.fori_loop(1, N_BLOCKS - 1, body, 0)

    cl = (N_BLOCKS - 1) * NBUF
    wait_gather(0)
    fire_write(cl, 0)
    wait_write(2)
    fire_gather(cl + 2, 2)
    wait_gather(1)
    fire_write(cl + 1, 1)
    wait_write(3)
    fire_gather(cl + 3, 3)
    wait_gather(2)
    fire_write(cl + 2, 2)
    wait_gather(3)
    fire_write(cl + 3, 3)

    for b in range(NBUF):
        wait_write(b)


BATCH = 16384
HIST = 50
TBLK = 128 * HIST * D // 128


@functools.partial(
    pl.pallas_call,
    grid=(BATCH // 128,),
    in_specs=[pl.BlockSpec((TBLK, 128), lambda i: (i, 0))],
    out_specs=pl.BlockSpec((HIST, 8, 1, 8, 128), lambda i: (0, 0, i, 0, 0)),
    out_shape=jax.ShapeDtypeStruct((HIST, 8, BATCH // 128, 8, 128), jnp.float32),
)
def _retile_kernel(in_ref, out_ref):
    x3 = in_ref[...].reshape(128, HIST // 2, 128)
    for hh in range(HIST // 2):
        yt = x3[:, hh, :].T
        out_ref[2 * hh, :, 0, :, :] = yt[0:64].reshape(8, 8, 128)
        out_ref[2 * hh + 1, :, 0, :, :] = yt[64:128].reshape(8, 8, 128)


VBLK = 4096
NVB = (VOCAB + VBLK - 1) // VBLK
VPAD = NVB * VBLK


@functools.partial(
    pl.pallas_call,
    grid=(NVB,),
    in_specs=[pl.BlockSpec((D, VBLK), lambda i: (0, i))],
    out_specs=pl.BlockSpec((VBLK // 2, 128), lambda i: (i, 0)),
    out_shape=jax.ShapeDtypeStruct((VPAD // 2, 128), jnp.float32),
)
def _detile_kernel(in_ref, out_ref):
    x = in_ref[...]
    for k in range(VBLK // 128):
        y = x[:, k * 128 : (k + 1) * 128].T
        out_ref[k * 64 : k * 64 + 64, 0:D] = y[0:64]
        out_ref[k * 64 : k * 64 + 64, D:128] = y[64:128]


def kernel(x, table):
    idx = x.reshape(-1).astype(jnp.int32)
    table_flat = _detile_kernel(table.T).reshape(VPAD, D)
    out = _gather_kernel(table_flat, idx)
    o5 = _retile_kernel(out.reshape(B * D // 128, 128))
    return o5.transpose(2, 4, 0, 1, 3).reshape(BATCH, HIST, D)

# --- scband reference (transcript-rebuilt; emitter-appended) ---
"""Pipeline reference for scband-token-embedding-18107582120215 (READ-ONLY COPY).

The authoritative reference and input builder live on the scoring server;
editing this copy changes nothing except your own understanding.
"""

import jax, jax.numpy as jnp
import numpy as np

VOCAB = 1000000
D_MODEL = 64
BATCH = 16384
HIST = 50

def setup_inputs(seed: int = 0) -> dict:
    key = jax.random.key(seed)
    k_idx, k_tab = jax.random.split(key)
    x = jax.random.randint(k_idx, (BATCH, HIST), 0, VOCAB, dtype=jnp.int64 if jax.config.jax_enable_x64 else jnp.int32)
    table = jax.random.normal(k_tab, (VOCAB, D_MODEL), dtype=jnp.float32)
    return {"x": x, "table": table}

def reference(x, table):
    # nn.Embedding forward: gather rows of the embedding table
    out = jnp.take(table, x, axis=0)
    return out

if __name__ == "__main__":
    import jax
    _d = setup_inputs()
    print(jax.jit(kernel)(*tuple(_d.values())))

</pallas_src>

<mosaic_0001>
#map = affine_map<(d0, d1) -> (0, 0)>
#map1 = affine_map<(d0, d1) -> (0)>
module attributes {stable_mosaic.version = 14 : i64} {
  func.func @_gather_kernel(%arg0: i32, %arg1: i32, %arg2: memref<1003520x64xf32, #tpu.memory_space<hbm>>, %arg3: memref<819200xi32, #tpu.memory_space<hbm>>, %arg4: memref<819200x64xf32, #tpu.memory_space<hbm>>, %arg5: memref<25600xi32, #tpu.memory_space<vmem>>, %arg6: memref<320x64xf32, #tpu.memory_space<vmem>>, %arg7: memref<320x64xf32, #tpu.memory_space<vmem>>, %arg8: memref<320x64xf32, #tpu.memory_space<vmem>>, %arg9: memref<320x64xf32, #tpu.memory_space<vmem>>, %arg10: memref<!tpu.dma_semaphore, #tpu.memory_space<semaphore_mem>>, %arg11: memref<!tpu.dma_semaphore, #tpu.memory_space<semaphore_mem>>, %arg12: memref<!tpu.dma_semaphore, #tpu.memory_space<semaphore_mem>>, %arg13: memref<!tpu.dma_semaphore, #tpu.memory_space<semaphore_mem>>, %arg14: memref<!tpu.dma_semaphore, #tpu.memory_space<semaphore_mem>>, %arg15: memref<!tpu.dma_semaphore, #tpu.memory_space<semaphore_mem>>, %arg16: memref<!tpu.dma_semaphore, #tpu.memory_space<semaphore_mem>>, %arg17: memref<!tpu.dma_semaphore, #tpu.memory_space<semaphore_mem>>) attributes {dimension_semantics = [#tpu.dimension_semantics<core_parallel>, #tpu.dimension_semantics<subcore_parallel>], iteration_bounds = array<i64: 2, 16>, scalar_prefetch = 0 : i64, scratch_operands = 13 : i64, tpu.core_type = #tpu.core_type<sc_vector_subcore>, window_params = [{transform_indices = #map}, {transform_indices = #map1}, {transform_indices = #map}]} {
    %mul3A = arith.constant 2 : i32
    %mul3A_0 = arith.muli %arg1, %mul3A : i32
    %add3A = arith.addi %mul3A_0, %arg0 : i32
    %mul3A_1 = arith.constant 25600 : i32
    %mul3A_2 = arith.muli %add3A, %mul3A_1 : i32
    "tpu.region"() ({
      %run_scoped3A = tpu.sem_alloc : memref<!tpu.dma_semaphore, #tpu.memory_space<semaphore_mem>>
      %dma_start3A_164 = tpu.memref_slice %arg3[%mul3A_2] : memref<819200xi32, #tpu.memory_space<hbm>> -> memref<25600xi32, #tpu.memory_space<hbm>>
      %dma_start3A_165 = tpu.memref_slice %arg3[%mul3A_2] : memref<819200xi32, #tpu.memory_space<hbm>> -> memref<25600xi32, #tpu.memory_space<hbm>>
      tpu.enqueue_dma source(%dma_start3A_165 : memref<25600xi32, #tpu.memory_space<hbm>>) target(%arg5 : memref<25600xi32, #tpu.memory_space<vmem>>) target_semaphore(%run_scoped3A : memref<!tpu.dma_semaphore, #tpu.memory_space<semaphore_mem>>)
      %dma_wait3A_166 = tpu.memref_slice %arg3[%mul3A_2] : memref<819200xi32, #tpu.memory_space<hbm>> -> memref<25600xi32, #tpu.memory_space<hbm>>
      %dma_wait3A_167 = tpu.memref_slice %arg3[%mul3A_2] : memref<819200xi32, #tpu.memory_space<hbm>> -> memref<25600xi32, #tpu.memory_space<hbm>>
      tpu.wait_dma2 semaphore(%run_scoped3A : memref<!tpu.dma_semaphore, #tpu.memory_space<semaphore_mem>>) src(%dma_wait3A_167 : memref<25600xi32, #tpu.memory_space<hbm>>) dst(%arg5 : memref<25600xi32, #tpu.memory_space<vmem>>)
      tpu.yield
    }) : () -> ()
    %scan3A = arith.constant 0 : i32
    %scan3A_3 = arith.constant 0 : i32
    %scan3A_4 = arith.constant 1600 : i32
    %scan3A_5 = arith.addi %scan3A_3, %scan3A_4 : i32
    %scan3A_6 = arith.constant 1 : i32
    scf.for %scan3A_164 = %scan3A_3 to %scan3A_5 step %scan3A_6  : i32 {
      %mul3A_165 = arith.constant 16 : i32
      %mul3A_166 = arith.muli %scan3A_164, %mul3A_165 : i32
      %get3A = arith.index_cast %mul3A_166 : i32 to index
      %get3A_167 = tpu.vector_load %arg5[%get3A] {strides = array<i32>} : memref<25600xi32, #tpu.memory_space<vmem>>, vector<16xi32>,
      %get3A_168 = vector.shape_cast %get3A_167 : vector<16xi32> to vector<16xi32>
      %and3A = arith.constant -128 : i32
      %and3A_169 = vector.broadcast %and3A : i32 to vector<16xi32>
      %and3A_170 = arith.andi %get3A_168, %and3A_169 : vector<16xi32>
      %and3A_171 = arith.constant 63 : i32
      %and3A_172 = vector.broadcast %and3A_171 : i32 to vector<16xi32>
      %and3A_173 = arith.andi %get3A_168, %and3A_172 : vector<16xi32>
      %shift_left3A = arith.constant 1 : i32
      %shift_left3A_174 = vector.broadcast %shift_left3A : i32 to vector<16xi32>
      %shift_left3A_175 = arith.shli %and3A_173, %shift_left3A_174 : vector<16xi32>
      %add3A_176 = arith.addi %and3A_170, %shift_left3A_175 : vector<16xi32>
      %shift_right_arithmetic3A = arith.constant 6 : i32
      %shift_right_arithmetic3A_177 = vector.broadcast %shift_right_arithmetic3A : i32 to vector<16xi32>
      %shift_right_arithmetic3A_178 = arith.shrsi %get3A_168, %shift_right_arithmetic3A_177 : vector<16xi32>
      %and3A_179 = arith.constant 1 : i32
      %and3A_180 = vector.broadcast %and3A_179 : i32 to vector<16xi32>
      %and3A_181 = arith.andi %shift_right_arithmetic3A_178, %and3A_180 : vector<16xi32>
      %add3A_182 = arith.addi %add3A_176, %and3A_181 : vector<16xi32>
      %mul3A_183 = arith.constant 16 : i32
      %mul3A_184 = arith.muli %scan3A_164, %mul3A_183 : i32
      %swap3A = arith.index_cast %mul3A_184 : i32 to index
      %swap3A_185 = tpu.vector_load %arg5[%swap3A] {strides = array<i32>} : memref<25600xi32, #tpu.memory_space<vmem>>, vector<16xi32>,
      %swap3A_186 = vector.shape_cast %swap3A_185 : vector<16xi32> to vector<16xi32>
      %swap3A_187 = vector.shape_cast %add3A_182 : vector<16xi32> to vector<16xi32>
      tpu.vector_store %arg5[%swap3A], %swap3A_187 {strides = array<i32>} : memref<25600xi32, #tpu.memory_space<vmem>>, vector<16xi32>,
    }
    %scan3A_7 = arith.constant 1600 : i32
    %dma_start3A = arith.constant 0 : i32
    %dma_start3A_8 = tpu.memref_slice %arg5[%dma_start3A] : memref<25600xi32, #tpu.memory_space<vmem>> -> memref<320xi32, #tpu.memory_space<vmem>>
    %dma_start3A_9 = arith.constant 0 : i32
    %dma_start3A_10 = arith.constant 0 : i32
    %dma_start3A_11 = tpu.memref_slice %arg2[%dma_start3A_9, %dma_start3A_10] : memref<1003520x64xf32, #tpu.memory_space<hbm>> -> memref<1003520x64xf32, #tpu.memory_space<hbm>>
    tpu.enqueue_indirect_dma source(%dma_start3A_11 : memref<1003520x64xf32, #tpu.memory_space<hbm>>) target(%arg6 : memref<320x64xf32, #tpu.memory_space<vmem>>) offsets(%dma_start3A_8 : memref<320xi32, #tpu.memory_space<vmem>>) semaphore(%arg10 : memref<!tpu.dma_semaphore, #tpu.memory_space<semaphore_mem>>)
    %dma_start3A_12 = arith.constant 320 : i32
    %dma_start3A_13 = tpu.memref_slice %arg5[%dma_start3A_12] : memref<25600xi32, #tpu.memory_space<vmem>> -> memref<320xi32, #tpu.memory_space<vmem>>
    %dma_start3A_14 = arith.constant 0 : i32
    %dma_start3A_15 = arith.constant 0 : i32
    %dma_start3A_16 = tpu.memref_slice %arg2[%dma_start3A_14, %dma_start3A_15] : memref<1003520x64xf32, #tpu.memory_space<hbm>> -> memref<1003520x64xf32, #tpu.memory_space<hbm>>
    tpu.enqueue_indirect_dma source(%dma_start3A_16 : memref<1003520x64xf32, #tpu.memory_space<hbm>>) target(%arg7 : memref<320x64xf32, #tpu.memory_space<vmem>>) offsets(%dma_start3A_13 : memref<320xi32, #tpu.memory_space<vmem>>) semaphore(%arg11 : memref<!tpu.dma_semaphore, #tpu.memory_space<semaphore_mem>>)
    %dma_wait3A = arith.constant 0 : i32
    %dma_wait3A_17 = tpu.memref_slice %arg4[%mul3A_2, %dma_wait3A] : memref<819200x64xf32, #tpu.memory_space<hbm>> -> memref<320x64xf32, #tpu.memory_space<hbm>>
    %dma_wait3A_18 = arith.constant 0 : i32
    %dma_wait3A_19 = tpu.memref_slice %arg4[%mul3A_2, %dma_wait3A_18] : memref<819200x64xf32, #tpu.memory_space<hbm>> -> memref<320x64xf32, #tpu.memory_space<hbm>>
    tpu.wait_dma2 semaphore(%arg10 : memref<!tpu.dma_semaphore, #tpu.memory_space<semaphore_mem>>) src(%dma_wait3A_19 : memref<320x64xf32, #tpu.memory_space<hbm>>) dst(%arg6 : memref<320x64xf32, #tpu.memory_space<vmem>>)
    %add3A_20 = arith.constant 0 : i32
    %add3A_21 = arith.addi %mul3A_2, %add3A_20 : i32
    %dma_start3A_22 = arith.constant 0 : i32
    %dma_start3A_23 = tpu.memref_slice %arg4[%add3A_21, %dma_start3A_22] : memref<819200x64xf32, #tpu.memory_space<hbm>> -> memref<320x64xf32, #tpu.memory_space<hbm>>
    %dma_start3A_24 = arith.constant 0 : i32
    %dma_start3A_25 = tpu.memref_slice %arg4[%add3A_21, %dma_start3A_24] : memref<819200x64xf32, #tpu.memory_space<hbm>> -> memref<320x64xf32, #tpu.memory_space<hbm>>
    tpu.enqueue_dma source(%arg6 : memref<320x64xf32, #tpu.memory_space<vmem>>) target(%dma_start3A_25 : memref<320x64xf32, #tpu.memory_space<hbm>>) target_semaphore(%arg14 : memref<!tpu.dma_semaphore, #tpu.memory_space<semaphore_mem>>)
    %dma_start3A_26 = arith.constant 640 : i32
    %dma_start3A_27 = tpu.memref_slice %arg5[%dma_start3A_26] : memref<25600xi32, #tpu.memory_space<vmem>> -> memref<320xi32, #tpu.memory_space<vmem>>
    %dma_start3A_28 = arith.constant 0 : i32
    %dma_start3A_29 = arith.constant 0 : i32
    %dma_start3A_30 = tpu.memref_slice %arg2[%dma_start3A_28, %dma_start3A_29] : memref<1003520x64xf32, #tpu.memory_space<hbm>> -> memref<1003520x64xf32, #tpu.memory_space<hbm>>
    tpu.enqueue_indirect_dma source(%dma_start3A_30 : memref<1003520x64xf32, #tpu.memory_space<hbm>>) target(%arg8 : memref<320x64xf32, #tpu.memory_space<vmem>>) offsets(%dma_start3A_27 : memref<320xi32, #tpu.memory_space<vmem>>) semaphore(%arg12 : memref<!tpu.dma_semaphore, #tpu.memory_space<semaphore_mem>>)
    %dma_wait3A_31 = arith.constant 0 : i32
    %dma_wait3A_32 = tpu.memref_slice %arg4[%mul3A_2, %dma_wait3A_31] : memref<819200x64xf32, #tpu.memory_space<hbm>> -> memref<320x64xf32, #tpu.memory_space<hbm>>
    %dma_wait3A_33 = arith.constant 0 : i32
    %dma_wait3A_34 = tpu.memref_slice %arg4[%mul3A_2, %dma_wait3A_33] : memref<819200x64xf32, #tpu.memory_space<hbm>> -> memref<320x64xf32, #tpu.memory_space<hbm>>
    tpu.wait_dma2 semaphore(%arg11 : memref<!tpu.dma_semaphore, #tpu.memory_space<semaphore_mem>>) src(%dma_wait3A_34 : memref<320x64xf32, #tpu.memory_space<hbm>>) dst(%arg7 : memref<320x64xf32, #tpu.memory_space<vmem>>)
    %add3A_35 = arith.constant 320 : i32
    %add3A_36 = arith.addi %mul3A_2, %add3A_35 : i32
    %dma_start3A_37 = arith.constant 0 : i32
    %dma_start3A_38 = tpu.memref_slice %arg4[%add3A_36, %dma_start3A_37] : memref<819200x64xf32, #tpu.memory_space<hbm>> -> memref<320x64xf32, #tpu.memory_space<hbm>>
    %dma_start3A_39 = arith.constant 0 : i32
    %dma_start3A_40 = tpu.memref_slice %arg4[%add3A_36, %dma_start3A_39] : memref<819200x64xf32, #tpu.memory_space<hbm>> -> memref<320x64xf32, #tpu.memory_space<hbm>>
    tpu.enqueue_dma source(%arg7 : memref<320x64xf32, #tpu.memory_space<vmem>>) target(%dma_start3A_40 : memref<320x64xf32, #tpu.memory_space<hbm>>) target_semaphore(%arg15 : memref<!tpu.dma_semaphore, #tpu.memory_space<semaphore_mem>>)
    %dma_start3A_41 = arith.constant 960 : i32
    %dma_start3A_42 = tpu.memref_slice %arg5[%dma_start3A_41] : memref<25600xi32, #tpu.memory_space<vmem>> -> memref<320xi32, #tpu.memory_space<vmem>>
    %dma_start3A_43 = arith.constant 0 : i32
    %dma_start3A_44 = arith.constant 0 : i32
    %dma_start3A_45 = tpu.memref_slice %arg2[%dma_start3A_43, %dma_start3A_44] : memref<1003520x64xf32, #tpu.memory_space<hbm>> -> memref<1003520x64xf32, #tpu.memory_space<hbm>>
    tpu.enqueue_indirect_dma source(%dma_start3A_45 : memref<1003520x64xf32, #tpu.memory_space<hbm>>) target(%arg9 : memref<320x64xf32, #tpu.memory_space<vmem>>) offsets(%dma_start3A_42 : memref<320xi32, #tpu.memory_space<vmem>>) semaphore(%arg13 : memref<!tpu.dma_semaphore, #tpu.memory_space<semaphore_mem>>)
    %dma_wait3A_46 = arith.constant 0 : i32
    %dma_wait3A_47 = tpu.memref_slice %arg4[%mul3A_2, %dma_wait3A_46] : memref<819200x64xf32, #tpu.memory_space<hbm>> -> memref<320x64xf32, #tpu.memory_space<hbm>>
    %dma_wait3A_48 = arith.constant 0 : i32
    %dma_wait3A_49 = tpu.memref_slice %arg4[%mul3A_2, %dma_wait3A_48] : memref<819200x64xf32, #tpu.memory_space<hbm>> -> memref<320x64xf32, #tpu.memory_space<hbm>>
    tpu.wait_dma2 semaphore(%arg12 : memref<!tpu.dma_semaphore, #tpu.memory_space<semaphore_mem>>) src(%dma_wait3A_49 : memref<320x64xf32, #tpu.memory_space<hbm>>) dst(%arg8 : memref<320x64xf32, #tpu.memory_space<vmem>>)
    %add3A_50 = arith.constant 640 : i32
    %add3A_51 = arith.addi %mul3A_2, %add3A_50 : i32
    %dma_start3A_52 = arith.constant 0 : i32
    %dma_start3A_53 = tpu.memref_slice %arg4[%add3A_51, %dma_start3A_52] : memref<819200x64xf32, #tpu.memory_space<hbm>> -> memref<320x64xf32, #tpu.memory_space<hbm>>
    %dma_start3A_54 = arith.constant 0 : i32
    %dma_start3A_55 = tpu.memref_slice %arg4[%add3A_51, %dma_start3A_54] : memref<819200x64xf32, #tpu.memory_space<hbm>> -> memref<320x64xf32, #tpu.memory_space<hbm>>
    tpu.enqueue_dma source(%arg8 : memref<320x64xf32, #tpu.memory_space<vmem>>) target(%dma_start3A_55 : memref<320x64xf32, #tpu.memory_space<hbm>>) target_semaphore(%arg16 : memref<!tpu.dma_semaphore, #tpu.memory_space<semaphore_mem>>)
    %dma_wait3A_56 = arith.constant 0 : i32
    %dma_wait3A_57 = tpu.memref_slice %arg4[%mul3A_2, %dma_wait3A_56] : memref<819200x64xf32, #tpu.memory_space<hbm>> -> memref<320x64xf32, #tpu.memory_space<hbm>>
    %dma_wait3A_58 = arith.constant 0 : i32
    %dma_wait3A_59 = tpu.memref_slice %arg4[%mul3A_2, %dma_wait3A_58] : memref<819200x64xf32, #tpu.memory_space<hbm>> -> memref<320x64xf32, #tpu.memory_space<hbm>>
    tpu.wait_dma2 semaphore(%arg14 : memref<!tpu.dma_semaphore, #tpu.memory_space<semaphore_mem>>) src(%arg6 : memref<320x64xf32, #tpu.memory_space<vmem>>) dst(%dma_wait3A_59 : memref<320x64xf32, #tpu.memory_space<hbm>>)
    %dma_start3A_60 = arith.constant 1280 : i32
    %dma_start3A_61 = tpu.memref_slice %arg5[%dma_start3A_60] : memref<25600xi32, #tpu.memory_space<vmem>> -> memref<320xi32, #tpu.memory_space<vmem>>
    %dma_start3A_62 = arith.constant 0 : i32
    %dma_start3A_63 = arith.constant 0 : i32
    %dma_start3A_64 = tpu.memref_slice %arg2[%dma_start3A_62, %dma_start3A_63] : memref<1003520x64xf32, #tpu.memory_space<hbm>> -> memref<1003520x64xf32, #tpu.memory_space<hbm>>
    tpu.enqueue_indirect_dma source(%dma_start3A_64 : memref<1003520x64xf32, #tpu.memory_space<hbm>>) target(%arg6 : memref<320x64xf32, #tpu.memory_space<vmem>>) offsets(%dma_start3A_61 : memref<320xi32, #tpu.memory_space<vmem>>) semaphore(%arg10 : memref<!tpu.dma_semaphore, #tpu.memory_space<semaphore_mem>>)
    %dma_wait3A_65 = arith.constant 0 : i32
    %dma_wait3A_66 = tpu.memref_slice %arg4[%mul3A_2, %dma_wait3A_65] : memref<819200x64xf32, #tpu.memory_space<hbm>> -> memref<320x64xf32, #tpu.memory_space<hbm>>
    %dma_wait3A_67 = arith.constant 0 : i32
    %dma_wait3A_68 = tpu.memref_slice %arg4[%mul3A_2, %dma_wait3A_67] : memref<819200x64xf32, #tpu.memory_space<hbm>> -> memref<320x64xf32, #tpu.memory_space<hbm>>
    tpu.wait_dma2 semaphore(%arg13 : memref<!tpu.dma_semaphore, #tpu.memory_space<semaphore_mem>>) src(%dma_wait3A_68 : memref<320x64xf32, #tpu.memory_space<hbm>>) dst(%arg9 : memref<320x64xf32, #tpu.memory_space<vmem>>)
    %add3A_69 = arith.constant 960 : i32
    %add3A_70 = arith.addi %mul3A_2, %add3A_69 : i32
    %dma_start3A_71 = arith.constant 0 : i32
    %dma_start3A_72 = tpu.memref_slice %arg4[%add3A_70, %dma_start3A_71] : memref<819200x64xf32, #tpu.memory_space<hbm>> -> memref<320x64xf32, #tpu.memory_space<hbm>>
    %dma_start3A_73 = arith.constant 0 : i32
    %dma_start3A_74 = tpu.memref_slice %arg4[%add3A_70, %dma_start3A_73] : memref<819200x64xf32, #tpu.memory_space<hbm>> -> memref<320x64xf32, #tpu.memory_space<hbm>>
    tpu.enqueue_dma source(%arg9 : memref<320x64xf32, #tpu.memory_space<vmem>>) target(%dma_start3A_74 : memref<320x64xf32, #tpu.memory_space<hbm>>) target_semaphore(%arg17 : memref<!tpu.dma_semaphore, #tpu.memory_space<semaphore_mem>>)
    %dma_wait3A_75 = arith.constant 0 : i32
    %dma_wait3A_76 = tpu.memref_slice %arg4[%mul3A_2, %dma_wait3A_75] : memref<819200x64xf32, #tpu.memory_space<hbm>> -> memref<320x64xf32, #tpu.memory_space<hbm>>
    %dma_wait3A_77 = arith.constant 0 : i32
    %dma_wait3A_78 = tpu.memref_slice %arg4[%mul3A_2, %dma_wait3A_77] : memref<819200x64xf32, #tpu.memory_space<hbm>> -> memref<320x64xf32, #tpu.memory_space<hbm>>
    tpu.wait_dma2 semaphore(%arg15 : memref<!tpu.dma_semaphore, #tpu.memory_space<semaphore_mem>>) src(%arg7 : memref<320x64xf32, #tpu.memory_space<vmem>>) dst(%dma_wait3A_78 : memref<320x64xf32, #tpu.memory_space<hbm>>)
    %dma_start3A_79 = arith.constant 1600 : i32
    %dma_start3A_80 = tpu.memref_slice %arg5[%dma_start3A_79] : memref<25600xi32, #tpu.memory_space<vmem>> -> memref<320xi32, #tpu.memory_space<vmem>>
    %dma_start3A_81 = arith.constant 0 : i32
    %dma_start3A_82 = arith.constant 0 : i32
    %dma_start3A_83 = tpu.memref_slice %arg2[%dma_start3A_81, %dma_start3A_82] : memref<1003520x64xf32, #tpu.memory_space<hbm>> -> memref<1003520x64xf32, #tpu.memory_space<hbm>>
    tpu.enqueue_indirect_dma source(%dma_start3A_83 : memref<1003520x64xf32, #tpu.memory_space<hbm>>) target(%arg7 : memref<320x64xf32, #tpu.memory_space<vmem>>) offsets(%dma_start3A_80 : memref<320xi32, #tpu.memory_space<vmem>>) semaphore(%arg11 : memref<!tpu.dma_semaphore, #tpu.memory_space<semaphore_mem>>)
    %scan3A_84 = arith.constant 0 : i32
    %scan3A_85 = arith.constant 1 : i32
    %scan3A_86 = arith.constant 18 : i32
    %scan3A_87 = arith.addi %scan3A_85, %scan3A_86 : i32
    %scan3A_88 = arith.constant 1 : i32
    scf.for %scan3A_164 = %scan3A_85 to %scan3A_87 step %scan3A_88  : i32 {
      %mul3A_165 = arith.constant 4 : i32
      %mul3A_166 = arith.muli %scan3A_164, %mul3A_165 : i32
      %dma_wait3A_167 = arith.constant 0 : i32
      %dma_wait3A_168 = tpu.memref_slice %arg4[%mul3A_2, %dma_wait3A_167] : memref<819200x64xf32, #tpu.memory_space<hbm>> -> memref<320x64xf32, #tpu.memory_space<hbm>>
      %dma_wait3A_169 = arith.constant 0 : i32
      %dma_wait3A_170 = tpu.memref_slice %arg4[%mul3A_2, %dma_wait3A_169] : memref<819200x64xf32, #tpu.memory_space<hbm>> -> memref<320x64xf32, #tpu.memory_space<hbm>>
      tpu.wait_dma2 semaphore(%arg10 : memref<!tpu.dma_semaphore, #tpu.memory_space<semaphore_mem>>) src(%dma_wait3A_170 : memref<320x64xf32, #tpu.memory_space<hbm>>) dst(%arg6 : memref<320x64xf32, #tpu.memory_space<vmem>>)
      %add3A_171 = arith.constant 0 : i32
      %add3A_172 = arith.addi %mul3A_166, %add3A_171 : i32
      %mul3A_173 = arith.constant 320 : i32
      %mul3A_174 = arith.muli %add3A_172, %mul3A_173 : i32
      %add3A_175 = arith.addi %mul3A_2, %mul3A_174 : i32
      %dma_start3A_176 = arith.constant 0 : i32
      %dma_start3A_177 = tpu.memref_slice %arg4[%add3A_175, %dma_start3A_176] : memref<819200x64xf32, #tpu.memory_space<hbm>> -> memref<320x64xf32, #tpu.memory_space<hbm>>
      %dma_start3A_178 = arith.constant 0 : i32
      %dma_start3A_179 = tpu.memref_slice %arg4[%add3A_175, %dma_start3A_178] : memref<819200x64xf32, #tpu.memory_space<hbm>> -> memref<320x64xf32, #tpu.memory_space<hbm>>
      tpu.enqueue_dma source(%arg6 : memref<320x64xf32, #tpu.memory_space<vmem>>) target(%dma_start3A_179 : memref<320x64xf32, #tpu.memory_space<hbm>>) target_semaphore(%arg14 : memref<!tpu.dma_semaphore, #tpu.memory_space<semaphore_mem>>)
      %dma_wait3A_180 = arith.constant 0 : i32
      %dma_wait3A_181 = tpu.memref_slice %arg4[%mul3A_2, %dma_wait3A_180] : memref<819200x64xf32, #tpu.memory_space<hbm>> -> memref<320x64xf32, #tpu.memory_space<hbm>>
      %dma_wait3A_182 = arith.constant 0 : i32
      %dma_wait3A_183 = tpu.memref_slice %arg4[%mul3A_2, %dma_wait3A_182] : memref<819200x64xf32, #tpu.memory_space<hbm>> -> memref<320x64xf32, #tpu.memory_space<hbm>>
      tpu.wait_dma2 semaphore(%arg16 : memref<!tpu.dma_semaphore, #tpu.memory_space<semaphore_mem>>) src(%arg8 : memref<320x64xf32, #tpu.memory_space<vmem>>) dst(%dma_wait3A_183 : memref<320x64xf32, #tpu.memory_space<hbm>>)
      %add3A_184 = arith.constant 0 : i32
      %add3A_185 = arith.addi %mul3A_166, %add3A_184 : i32
      %add3A_186 = arith.constant 2 : i32
      %add3A_187 = arith.addi %add3A_185, %add3A_186 : i32
      %mul3A_188 = arith.constant 320 : i32
      %mul3A_189 = arith.muli %add3A_187, %mul3A_188 : i32
      %dma_start3A_190 = tpu.memref_slice %arg5[%mul3A_189] : memref<25600xi32, #tpu.memory_space<vmem>> -> memref<320xi32, #tpu.memory_space<vmem>>
      %dma_start3A_191 = arith.constant 0 : i32
      %dma_start3A_192 = arith.constant 0 : i32
      %dma_start3A_193 = tpu.memref_slice %arg2[%dma_start3A_191, %dma_start3A_192] : memref<1003520x64xf32, #tpu.memory_space<hbm>> -> memref<1003520x64xf32, #tpu.memory_space<hbm>>
      tpu.enqueue_indirect_dma source(%dma_start3A_193 : memref<1003520x64xf32, #tpu.memory_space<hbm>>) target(%arg8 : memref<320x64xf32, #tpu.memory_space<vmem>>) offsets(%dma_start3A_190 : memref<320xi32, #tpu.memory_space<vmem>>) semaphore(%arg12 : memref<!tpu.dma_semaphore, #tpu.memory_space<semaphore_mem>>)
      %dma_wait3A_194 = arith.constant 0 : i32
      %dma_wait3A_195 = tpu.memref_slice %arg4[%mul3A_2, %dma_wait3A_194] : memref<819200x64xf32, #tpu.memory_space<hbm>> -> memref<320x64xf32, #tpu.memory_space<hbm>>
      %dma_wait3A_196 = arith.constant 0 : i32
      %dma_wait3A_197 = tpu.memref_slice %arg4[%mul3A_2, %dma_wait3A_196] : memref<819200x64xf32, #tpu.memory_space<hbm>> -> memref<320x64xf32, #tpu.memory_space<hbm>>
      tpu.wait_dma2 semaphore(%arg11 : memref<!tpu.dma_semaphore, #tpu.memory_space<semaphore_mem>>) src(%dma_wait3A_197 : memref<320x64xf32, #tpu.memory_space<hbm>>) dst(%arg7 : memref<320x64xf32, #tpu.memory_space<vmem>>)
      %add3A_198 = arith.constant 1 : i32
      %add3A_199 = arith.addi %mul3A_166, %add3A_198 : i32
      %mul3A_200 = arith.constant 320 : i32
      %mul3A_201 = arith.muli %add3A_199, %mul3A_200 : i32
      %add3A_202 = arith.addi %mul3A_2, %mul3A_201 : i32
      %dma_start3A_203 = arith.constant 0 : i32
      %dma_start3A_204 = tpu.memref_slice %arg4[%add3A_202, %dma_start3A_203] : memref<819200x64xf32, #tpu.memory_space<hbm>> -> memref<320x64xf32, #tpu.memory_space<hbm>>
      %dma_start3A_205 = arith.constant 0 : i32
      %dma_start3A_206 = tpu.memref_slice %arg4[%add3A_202, %dma_start3A_205] : memref<819200x64xf32, #tpu.memory_space<hbm>> -> memref<320x64xf32, #tpu.memory_space<hbm>>
      tpu.enqueue_dma source(%arg7 : memref<320x64xf32, #tpu.memory_space<vmem>>) target(%dma_start3A_206 : memref<320x64xf32, #tpu.memory_space<hbm>>) target_semaphore(%arg15 : memref<!tpu.dma_semaphore, #tpu.memory_space<semaphore_mem>>)
      %dma_wait3A_207 = arith.constant 0 : i32
      %dma_wait3A_208 = tpu.memref_slice %arg4[%mul3A_2, %dma_wait3A_207] : memref<819200x64xf32, #tpu.memory_space<hbm>> -> memref<320x64xf32, #tpu.memory_space<hbm>>
      %dma_wait3A_209 = arith.constant 0 : i32
      %dma_wait3A_210 = tpu.memref_slice %arg4[%mul3A_2, %dma_wait3A_209] : memref<819200x64xf32, #tpu.memory_space<hbm>> -> memref<320x64xf32, #tpu.memory_space<hbm>>
      tpu.wait_dma2 semaphore(%arg17 : memref<!tpu.dma_semaphore, #tpu.memory_space<semaphore_mem>>) src(%arg9 : memref<320x64xf32, #tpu.memory_space<vmem>>) dst(%dma_wait3A_210 : memref<320x64xf32, #tpu.memory_space<hbm>>)
      %add3A_211 = arith.constant 1 : i32
      %add3A_212 = arith.addi %mul3A_166, %add3A_211 : i32
      %add3A_213 = arith.constant 2 : i32
      %add3A_214 = arith.addi %add3A_212, %add3A_213 : i32
      %mul3A_215 = arith.constant 320 : i32
      %mul3A_216 = arith.muli %add3A_214, %mul3A_215 : i32
      %dma_start3A_217 = tpu.memref_slice %arg5[%mul3A_216] : memref<25600xi32, #tpu.memory_space<vmem>> -> memref<320xi32, #tpu.memory_space<vmem>>
      %dma_start3A_218 = arith.constant 0 : i32
      %dma_start3A_219 = arith.constant 0 : i32
      %dma_start3A_220 = tpu.memref_slice %arg2[%dma_start3A_218, %dma_start3A_219] : memref<1003520x64xf32, #tpu.memory_space<hbm>> -> memref<1003520x64xf32, #tpu.memory_space<hbm>>
      tpu.enqueue_indirect_dma source(%dma_start3A_220 : memref<1003520x64xf32, #tpu.memory_space<hbm>>) target(%arg9 : memref<320x64xf32, #tpu.memory_space<vmem>>) offsets(%dma_start3A_217 : memref<320xi32, #tpu.memory_space<vmem>>) semaphore(%arg13 : memref<!tpu.dma_semaphore, #tpu.memory_space<semaphore_mem>>)
      %dma_wait3A_221 = arith.constant 0 : i32
      %dma_wait3A_222 = tpu.memref_slice %arg4[%mul3A_2, %dma_wait3A_221] : memref<819200x64xf32, #tpu.memory_space<hbm>> -> memref<320x64xf32, #tpu.memory_space<hbm>>
      %dma_wait3A_223 = arith.constant 0 : i32
      %dma_wait3A_224 = tpu.memref_slice %arg4[%mul3A_2, %dma_wait3A_223] : memref<819200x64xf32, #tpu.memory_space<hbm>> -> memref<320x64xf32, #tpu.memory_space<hbm>>
      tpu.wait_dma2 semaphore(%arg12 : memref<!tpu.dma_semaphore, #tpu.memory_space<semaphore_mem>>) src(%dma_wait3A_224 : memref<320x64xf32, #tpu.memory_space<hbm>>) dst(%arg8 : memref<320x64xf32, #tpu.memory_space<vmem>>)
      %add3A_225 = arith.constant 2 : i32
      %add3A_226 = arith.addi %mul3A_166, %add3A_225 : i32
      %mul3A_227 = arith.constant 320 : i32
      %mul3A_228 = arith.muli %add3A_226, %mul3A_227 : i32
      %add3A_229 = arith.addi %mul3A_2, %mul3A_228 : i32
      %dma_start3A_230 = arith.constant 0 : i32
      %dma_start3A_231 = tpu.memref_slice %arg4[%add3A_229, %dma_start3A_230] : memref<819200x64xf32, #tpu.memory_space<hbm>> -> memref<320x64xf32, #tpu.memory_space<hbm>>
      %dma_start3A_232 = arith.constant 0 : i32
      %dma_start3A_233 = tpu.memref_slice %arg4[%add3A_229, %dma_start3A_232] : memref<819200x64xf32, #tpu.memory_space<hbm>> -> memref<320x64xf32, #tpu.memory_space<hbm>>
      tpu.enqueue_dma source(%arg8 : memref<320x64xf32, #tpu.memory_space<vmem>>) target(%dma_start3A_233 : memref<320x64xf32, #tpu.memory_space<hbm>>) target_semaphore(%arg16 : memref<!tpu.dma_semaphore, #tpu.memory_space<semaphore_mem>>)
      %dma_wait3A_234 = arith.constant 0 : i32
      %dma_wait3A_235 = tpu.memref_slice %arg4[%mul3A_2, %dma_wait3A_234] : memref<819200x64xf32, #tpu.memory_space<hbm>> -> memref<320x64xf32, #tpu.memory_space<hbm>>
      %dma_wait3A_236 = arith.constant 0 : i32
      %dma_wait3A_237 = tpu.memref_slice %arg4[%mul3A_2, %dma_wait3A_236] : memref<819200x64xf32, #tpu.memory_space<hbm>> -> memref<320x64xf32, #tpu.memory_space<hbm>>
      tpu.wait_dma2 semaphore(%arg14 : memref<!tpu.dma_semaphore, #tpu.memory_space<semaphore_mem>>) src(%arg6 : memref<320x64xf32, #tpu.memory_space<vmem>>) dst(%dma_wait3A_237 : memref<320x64xf32, #tpu.memory_space<hbm>>)
      %add3A_238 = arith.constant 2 : i32
      %add3A_239 = arith.addi %mul3A_166, %add3A_238 : i32
      %add3A_240 = arith.constant 2 : i32
      %add3A_241 = arith.addi %add3A_239, %add3A_240 : i32
      %mul3A_242 = arith.constant 320 : i32
      %mul3A_243 = arith.muli %add3A_241, %mul3A_242 : i32
      %dma_start3A_244 = tpu.memref_slice %arg5[%mul3A_243] : memref<25600xi32, #tpu.memory_space<vmem>> -> memref<320xi32, #tpu.memory_space<vmem>>
      %dma_start3A_245 = arith.constant 0 : i32
      %dma_start3A_246 = arith.constant 0 : i32
      %dma_start3A_247 = tpu.memref_slice %arg2[%dma_start3A_245, %dma_start3A_246] : memref<1003520x64xf32, #tpu.memory_space<hbm>> -> memref<1003520x64xf32, #tpu.memory_space<hbm>>
      tpu.enqueue_indirect_dma source(%dma_start3A_247 : memref<1003520x64xf32, #tpu.memory_space<hbm>>) target(%arg6 : memref<320x64xf32, #tpu.memory_space<vmem>>) offsets(%dma_start3A_244 : memref<320xi32, #tpu.memory_space<vmem>>) semaphore(%arg10 : memref<!tpu.dma_semaphore, #tpu.memory_space<semaphore_mem>>)
      %dma_wait3A_248 = arith.constant 0 : i32
      %dma_wait3A_249 = tpu.memref_slice %arg4[%mul3A_2, %dma_wait3A_248] : memref<819200x64xf32, #tpu.memory_space<hbm>> -> memref<320x64xf32, #tpu.memory_space<hbm>>
      %dma_wait3A_250 = arith.constant 0 : i32
      %dma_wait3A_251 = tpu.memref_slice %arg4[%mul3A_2, %dma_wait3A_250] : memref<819200x64xf32, #tpu.memory_space<hbm>> -> memref<320x64xf32, #tpu.memory_space<hbm>>
      tpu.wait_dma2 semaphore(%arg13 : memref<!tpu.dma_semaphore, #tpu.memory_space<semaphore_mem>>) src(%dma_wait3A_251 : memref<320x64xf32, #tpu.memory_space<hbm>>) dst(%arg9 : memref<320x64xf32, #tpu.memory_space<vmem>>)
      %add3A_252 = arith.constant 3 : i32
      %add3A_253 = arith.addi %mul3A_166, %add3A_252 : i32
      %mul3A_254 = arith.constant 320 : i32
      %mul3A_255 = arith.muli %add3A_253, %mul3A_254 : i32
      %add3A_256 = arith.addi %mul3A_2, %mul3A_255 : i32
      %dma_start3A_257 = arith.constant 0 : i32
      %dma_start3A_258 = tpu.memref_slice %arg4[%add3A_256, %dma_start3A_257] : memref<819200x64xf32, #tpu.memory_space<hbm>> -> memref<320x64xf32, #tpu.memory_space<hbm>>
      %dma_start3A_259 = arith.constant 0 : i32
      %dma_start3A_260 = tpu.memref_slice %arg4[%add3A_256, %dma_start3A_259] : memref<819200x64xf32, #tpu.memory_space<hbm>> -> memref<320x64xf32, #tpu.memory_space<hbm>>
      tpu.enqueue_dma source(%arg9 : memref<320x64xf32, #tpu.memory_space<vmem>>) target(%dma_start3A_260 : memref<320x64xf32, #tpu.memory_space<hbm>>) target_semaphore(%arg17 : memref<!tpu.dma_semaphore, #tpu.memory_space<semaphore_mem>>)
      %dma_wait3A_261 = arith.constant 0 : i32
      %dma_wait3A_262 = tpu.memref_slice %arg4[%mul3A_2, %dma_wait3A_261] : memref<819200x64xf32, #tpu.memory_space<hbm>> -> memref<320x64xf32, #tpu.memory_space<hbm>>
      %dma_wait3A_263 = arith.constant 0 : i32
      %dma_wait3A_264 = tpu.memref_slice %arg4[%mul3A_2, %dma_wait3A_263] : memref<819200x64xf32, #tpu.memory_space<hbm>> -> memref<320x64xf32, #tpu.memory_space<hbm>>
      tpu.wait_dma2 semaphore(%arg15 : memref<!tpu.dma_semaphore, #tpu.memory_space<semaphore_mem>>) src(%arg7 : memref<320x64xf32, #tpu.memory_space<vmem>>) dst(%dma_wait3A_264 : memref<320x64xf32, #tpu.memory_space<hbm>>)
      %add3A_265 = arith.constant 3 : i32
      %add3A_266 = arith.addi %mul3A_166, %add3A_265 : i32
      %add3A_267 = arith.constant 2 : i32
      %add3A_268 = arith.addi %add3A_266, %add3A_267 : i32
      %mul3A_269 = arith.constant 320 : i32
      %mul3A_270 = arith.muli %add3A_268, %mul3A_269 : i32
      %dma_start3A_271 = tpu.memref_slice %arg5[%mul3A_270] : memref<25600xi32, #tpu.memory_space<vmem>> -> memref<320xi32, #tpu.memory_space<vmem>>
      %dma_start3A_272 = arith.constant 0 : i32
      %dma_start3A_273 = arith.constant 0 : i32
      %dma_start3A_274 = tpu.memref_slice %arg2[%dma_start3A_272, %dma_start3A_273] : memref<1003520x64xf32, #tpu.memory_space<hbm>> -> memref<1003520x64xf32, #tpu.memory_space<hbm>>
      tpu.enqueue_indirect_dma source(%dma_start3A_274 : memref<1003520x64xf32, #tpu.memory_space<hbm>>) target(%arg7 : memref<320x64xf32, #tpu.memory_space<vmem>>) offsets(%dma_start3A_271 : memref<320xi32, #tpu.memory_space<vmem>>) semaphore(%arg11 : memref<!tpu.dma_semaphore, #tpu.memory_space<semaphore_mem>>)
    }
    %scan3A_89 = arith.constant 18 : i32
    %dma_wait3A_90 = arith.constant 0 : i32
    %dma_wait3A_91 = tpu.memref_slice %arg4[%mul3A_2, %dma_wait3A_90] : memref<819200x64xf32, #tpu.memory_space<hbm>> -> memref<320x64xf32, #tpu.memory_space<hbm>>
    %dma_wait3A_92 = arith.constant 0 : i32
    %dma_wait3A_93 = tpu.memref_slice %arg4[%mul3A_2, %dma_wait3A_92] : memref<819200x64xf32, #tpu.memory_space<hbm>> -> memref<320x64xf32, #tpu.memory_space<hbm>>
    tpu.wait_dma2 semaphore(%arg10 : memref<!tpu.dma_semaphore, #tpu.memory_space<semaphore_mem>>) src(%dma_wait3A_93 : memref<320x64xf32, #tpu.memory_space<hbm>>) dst(%arg6 : memref<320x64xf32, #tpu.memory_space<vmem>>)
    %add3A_94 = arith.constant 24320 : i32
    %add3A_95 = arith.addi %mul3A_2, %add3A_94 : i32
    %dma_start3A_96 = arith.constant 0 : i32
    %dma_start3A_97 = tpu.memref_slice %arg4[%add3A_95, %dma_start3A_96] : memref<819200x64xf32, #tpu.memory_space<hbm>> -> memref<320x64xf32, #tpu.memory_space<hbm>>
    %dma_start3A_98 = arith.constant 0 : i32
    %dma_start3A_99 = tpu.memref_slice %arg4[%add3A_95, %dma_start3A_98] : memref<819200x64xf32, #tpu.memory_space<hbm>> -> memref<320x64xf32, #tpu.memory_space<hbm>>
    tpu.enqueue_dma source(%arg6 : memref<320x64xf32, #tpu.memory_space<vmem>>) target(%dma_start3A_99 : memref<320x64xf32, #tpu.memory_space<hbm>>) target_semaphore(%arg14 : memref<!tpu.dma_semaphore, #tpu.memory_space<semaphore_mem>>)
    %dma_wait3A_100 = arith.constant 0 : i32
    %dma_wait3A_101 = tpu.memref_slice %arg4[%mul3A_2, %dma_wait3A_100] : memref<819200x64xf32, #tpu.memory_space<hbm>> -> memref<320x64xf32, #tpu.memory_space<hbm>>
    %dma_wait3A_102 = arith.constant 0 : i32
    %dma_wait3A_103 = tpu.memref_slice %arg4[%mul3A_2, %dma_wait3A_102] : memref<819200x64xf32, #tpu.memory_space<hbm>> -> memref<320x64xf32, #tpu.memory_space<hbm>>
    tpu.wait_dma2 semaphore(%arg16 : memref<!tpu.dma_semaphore, #tpu.memory_space<semaphore_mem>>) src(%arg8 : memref<320x64xf32, #tpu.memory_space<vmem>>) dst(%dma_wait3A_103 : memref<320x64xf32, #tpu.memory_space<hbm>>)
    %dma_start3A_104 = arith.constant 24960 : i32
    %dma_start3A_105 = tpu.memref_slice %arg5[%dma_start3A_104] : memref<25600xi32, #tpu.memory_space<vmem>> -> memref<320xi32, #tpu.memory_space<vmem>>
    %dma_start3A_106 = arith.constant 0 : i32
    %dma_start3A_107 = arith.constant 0 : i32
    %dma_start3A_108 = tpu.memref_slice %arg2[%dma_start3A_106, %dma_start3A_107] : memref<1003520x64xf32, #tpu.memory_space<hbm>> -> memref<1003520x64xf32, #tpu.memory_space<hbm>>
    tpu.enqueue_indirect_dma source(%dma_start3A_108 : memref<1003520x64xf32, #tpu.memory_space<hbm>>) target(%arg8 : memref<320x64xf32, #tpu.memory_space<vmem>>) offsets(%dma_start3A_105 : memref<320xi32, #tpu.memory_space<vmem>>) semaphore(%arg12 : memref<!tpu.dma_semaphore, #tpu.memory_space<semaphore_mem>>)
    %dma_wait3A_109 = arith.constant 0 : i32
    %dma_wait3A_110 = tpu.memref_slice %arg4[%mul3A_2, %dma_wait3A_109] : memref<819200x64xf32, #tpu.memory_space<hbm>> -> memref<320x64xf32, #tpu.memory_space<hbm>>
    %dma_wait3A_111 = arith.constant 0 : i32
    %dma_wait3A_112 = tpu.memref_slice %arg4[%mul3A_2, %dma_wait3A_111] : memref<819200x64xf32, #tpu.memory_space<hbm>> -> memref<320x64xf32, #tpu.memory_space<hbm>>
    tpu.wait_dma2 semaphore(%arg11 : memref<!tpu.dma_semaphore, #tpu.memory_space<semaphore_mem>>) src(%dma_wait3A_112 : memref<320x64xf32, #tpu.memory_space<hbm>>) dst(%arg7 : memref<320x64xf32, #tpu.memory_space<vmem>>)
    %add3A_113 = arith.constant 24640 : i32
    %add3A_114 = arith.addi %mul3A_2, %add3A_113 : i32
    %dma_start3A_115 = arith.constant 0 : i32
    %dma_start3A_116 = tpu.memref_slice %arg4[%add3A_114, %dma_start3A_115] : memref<819200x64xf32, #tpu.memory_space<hbm>> -> memref<320x64xf32, #tpu.memory_space<hbm>>
    %dma_start3A_117 = arith.constant 0 : i32
    %dma_start3A_118 = tpu.memref_slice %arg4[%add3A_114, %dma_start3A_117] : memref<819200x64xf32, #tpu.memory_space<hbm>> -> memref<320x64xf32, #tpu.memory_space<hbm>>
    tpu.enqueue_dma source(%arg7 : memref<320x64xf32, #tpu.memory_space<vmem>>) target(%dma_start3A_118 : memref<320x64xf32, #tpu.memory_space<hbm>>) target_semaphore(%arg15 : memref<!tpu.dma_semaphore, #tpu.memory_space<semaphore_mem>>)
    %dma_wait3A_119 = arith.constant 0 : i32
    %dma_wait3A_120 = tpu.memref_slice %arg4[%mul3A_2, %dma_wait3A_119] : memref<819200x64xf32, #tpu.memory_space<hbm>> -> memref<320x64xf32, #tpu.memory_space<hbm>>
    %dma_wait3A_121 = arith.constant 0 : i32
    %dma_wait3A_122 = tpu.memref_slice %arg4[%mul3A_2, %dma_wait3A_121] : memref<819200x64xf32, #tpu.memory_space<hbm>> -> memref<320x64xf32, #tpu.memory_space<hbm>>
    tpu.wait_dma2 semaphore(%arg17 : memref<!tpu.dma_semaphore, #tpu.memory_space<semaphore_mem>>) src(%arg9 : memref<320x64xf32, #tpu.memory_space<vmem>>) dst(%dma_wait3A_122 : memref<320x64xf32, #tpu.memory_space<hbm>>)
    %dma_start3A_123 = arith.constant 25280 : i32
    %dma_start3A_124 = tpu.memref_slice %arg5[%dma_start3A_123] : memref<25600xi32, #tpu.memory_space<vmem>> -> memref<320xi32, #tpu.memory_space<vmem>>
    %dma_start3A_125 = arith.constant 0 : i32
    %dma_start3A_126 = arith.constant 0 : i32
    %dma_start3A_127 = tpu.memref_slice %arg2[%dma_start3A_125, %dma_start3A_126] : memref<1003520x64xf32, #tpu.memory_space<hbm>> -> memref<1003520x64xf32, #tpu.memory_space<hbm>>
    tpu.enqueue_indirect_dma source(%dma_start3A_127 : memref<1003520x64xf32, #tpu.memory_space<hbm>>) target(%arg9 : memref<320x64xf32, #tpu.memory_space<vmem>>) offsets(%dma_start3A_124 : memref<320xi32, #tpu.memory_space<vmem>>) semaphore(%arg13 : memref<!tpu.dma_semaphore, #tpu.memory_space<semaphore_mem>>)
    %dma_wait3A_128 = arith.constant 0 : i32
    %dma_wait3A_129 = tpu.memref_slice %arg4[%mul3A_2, %dma_wait3A_128] : memref<819200x64xf32, #tpu.memory_space<hbm>> -> memref<320x64xf32, #tpu.memory_space<hbm>>
    %dma_wait3A_130 = arith.constant 0 : i32
    %dma_wait3A_131 = tpu.memref_slice %arg4[%mul3A_2, %dma_wait3A_130] : memref<819200x64xf32, #tpu.memory_space<hbm>> -> memref<320x64xf32, #tpu.memory_space<hbm>>
    tpu.wait_dma2 semaphore(%arg12 : memref<!tpu.dma_semaphore, #tpu.memory_space<semaphore_mem>>) src(%dma_wait3A_131 : memref<320x64xf32, #tpu.memory_space<hbm>>) dst(%arg8 : memref<320x64xf32, #tpu.memory_space<vmem>>)
    %add3A_132 = arith.constant 24960 : i32
    %add3A_133 = arith.addi %mul3A_2, %add3A_132 : i32
    %dma_start3A_134 = arith.constant 0 : i32
    %dma_start3A_135 = tpu.memref_slice %arg4[%add3A_133, %dma_start3A_134] : memref<819200x64xf32, #tpu.memory_space<hbm>> -> memref<320x64xf32, #tpu.memory_space<hbm>>
    %dma_start3A_136 = arith.constant 0 : i32
    %dma_start3A_137 = tpu.memref_slice %arg4[%add3A_133, %dma_start3A_136] : memref<819200x64xf32, #tpu.memory_space<hbm>> -> memref<320x64xf32, #tpu.memory_space<hbm>>
    tpu.enqueue_dma source(%arg8 : memref<320x64xf32, #tpu.memory_space<vmem>>) target(%dma_start3A_137 : memref<320x64xf32, #tpu.memory_space<hbm>>) target_semaphore(%arg16 : memref<!tpu.dma_semaphore, #tpu.memory_space<semaphore_mem>>)
    %dma_wait3A_138 = arith.constant 0 : i32
    %dma_wait3A_139 = tpu.memref_slice %arg4[%mul3A_2, %dma_wait3A_138] : memref<819200x64xf32, #tpu.memory_space<hbm>> -> memref<320x64xf32, #tpu.memory_space<hbm>>
    %dma_wait3A_140 = arith.constant 0 : i32
    %dma_wait3A_141 = tpu.memref_slice %arg4[%mul3A_2, %dma_wait3A_140] : memref<819200x64xf32, #tpu.memory_space<hbm>> -> memref<320x64xf32, #tpu.memory_space<hbm>>
    tpu.wait_dma2 semaphore(%arg13 : memref<!tpu.dma_semaphore, #tpu.memory_space<semaphore_mem>>) src(%dma_wait3A_141 : memref<320x64xf32, #tpu.memory_space<hbm>>) dst(%arg9 : memref<320x64xf32, #tpu.memory_space<vmem>>)
    %add3A_142 = arith.constant 25280 : i32
    %add3A_143 = arith.addi %mul3A_2, %add3A_142 : i32
    %dma_start3A_144 = arith.constant 0 : i32
    %dma_start3A_145 = tpu.memref_slice %arg4[%add3A_143, %dma_start3A_144] : memref<819200x64xf32, #tpu.memory_space<hbm>> -> memref<320x64xf32, #tpu.memory_space<hbm>>
    %dma_start3A_146 = arith.constant 0 : i32
    %dma_start3A_147 = tpu.memref_slice %arg4[%add3A_143, %dma_start3A_146] : memref<819200x64xf32, #tpu.memory_space<hbm>> -> memref<320x64xf32, #tpu.memory_space<hbm>>
    tpu.enqueue_dma source(%arg9 : memref<320x64xf32, #tpu.memory_space<vmem>>) target(%dma_start3A_147 : memref<320x64xf32, #tpu.memory_space<hbm>>) target_semaphore(%arg17 : memref<!tpu.dma_semaphore, #tpu.memory_space<semaphore_mem>>)
    %dma_wait3A_148 = arith.constant 0 : i32
    %dma_wait3A_149 = tpu.memref_slice %arg4[%mul3A_2, %dma_wait3A_148] : memref<819200x64xf32, #tpu.memory_space<hbm>> -> memref<320x64xf32, #tpu.memory_space<hbm>>
    %dma_wait3A_150 = arith.constant 0 : i32
    %dma_wait3A_151 = tpu.memref_slice %arg4[%mul3A_2, %dma_wait3A_150] : memref<819200x64xf32, #tpu.memory_space<hbm>> -> memref<320x64xf32, #tpu.memory_space<hbm>>
    tpu.wait_dma2 semaphore(%arg14 : memref<!tpu.dma_semaphore, #tpu.memory_space<semaphore_mem>>) src(%arg6 : memref<320x64xf32, #tpu.memory_space<vmem>>) dst(%dma_wait3A_151 : memref<320x64xf32, #tpu.memory_space<hbm>>)
    %dma_wait3A_152 = arith.constant 0 : i32
    %dma_wait3A_153 = tpu.memref_slice %arg4[%mul3A_2, %dma_wait3A_152] : memref<819200x64xf32, #tpu.memory_space<hbm>> -> memref<320x64xf32, #tpu.memory_space<hbm>>
    %dma_wait3A_154 = arith.constant 0 : i32
    %dma_wait3A_155 = tpu.memref_slice %arg4[%mul3A_2, %dma_wait3A_154] : memref<819200x64xf32, #tpu.memory_space<hbm>> -> memref<320x64xf32, #tpu.memory_space<hbm>>
    tpu.wait_dma2 semaphore(%arg15 : memref<!tpu.dma_semaphore, #tpu.memory_space<semaphore_mem>>) src(%arg7 : memref<320x64xf32, #tpu.memory_space<vmem>>) dst(%dma_wait3A_155 : memref<320x64xf32, #tpu.memory_space<hbm>>)
    %dma_wait3A_156 = arith.constant 0 : i32
    %dma_wait3A_157 = tpu.memref_slice %arg4[%mul3A_2, %dma_wait3A_156] : memref<819200x64xf32, #tpu.memory_space<hbm>> -> memref<320x64xf32, #tpu.memory_space<hbm>>
    %dma_wait3A_158 = arith.constant 0 : i32
    %dma_wait3A_159 = tpu.memref_slice %arg4[%mul3A_2, %dma_wait3A_158] : memref<819200x64xf32, #tpu.memory_space<hbm>> -> memref<320x64xf32, #tpu.memory_space<hbm>>
    tpu.wait_dma2 semaphore(%arg16 : memref<!tpu.dma_semaphore, #tpu.memory_space<semaphore_mem>>) src(%arg8 : memref<320x64xf32, #tpu.memory_space<vmem>>) dst(%dma_wait3A_159 : memref<320x64xf32, #tpu.memory_space<hbm>>)
    %dma_wait3A_160 = arith.constant 0 : i32
    %dma_wait3A_161 = tpu.memref_slice %arg4[%mul3A_2, %dma_wait3A_160] : memref<819200x64xf32, #tpu.memory_space<hbm>> -> memref<320x64xf32, #tpu.memory_space<hbm>>
    %dma_wait3A_162 = arith.constant 0 : i32
    %dma_wait3A_163 = tpu.memref_slice %arg4[%mul3A_2, %dma_wait3A_162] : memref<819200x64xf32, #tpu.memory_space<hbm>> -> memref<320x64xf32, #tpu.memory_space<hbm>>
    tpu.wait_dma2 semaphore(%arg17 : memref<!tpu.dma_semaphore, #tpu.memory_space<semaphore_mem>>) src(%arg9 : memref<320x64xf32, #tpu.memory_space<vmem>>) dst(%dma_wait3A_163 : memref<320x64xf32, #tpu.memory_space<hbm>>)
    return
  }
}

module attributes {stable_mosaic.version = 14 : i64} {
  func.func @_detile_kernel(%arg0: i32, %arg1: memref<64x4096xf32, #tpu.memory_space<vmem>>, %arg2: memref<2048x128xf32, #tpu.memory_space<vmem>>) attributes {dimension_semantics = [#tpu.dimension_semantics<arbitrary>], iteration_bounds = array<i64: 245>, scalar_prefetch = 0 : i64, scratch_operands = 0 : i64, tpu.core_type = #tpu.core_type<tc>, window_params = [{transform_indices = @transform_0, window_bounds = array<i64: 64, 4096>}, {transform_indices = @transform_1, window_bounds = array<i64: 2048, 128>}]} {
    %get3A = arith.constant 0 : index
    %get3A_0 = arith.constant 0 : index
    %get3A_1 = vector.load %arg1[%get3A, %get3A_0] : memref<64x4096xf32, #tpu.memory_space<vmem>>, vector<64x4096xf32>
    %slice3A = vector.extract_strided_slice %get3A_1 {offsets = [0, 0], sizes = [64, 128], strides = [1, 1]} : vector<64x4096xf32> to vector<64x128xf32>
    %transpose3A = tpu.transpose %slice3A, [1, 0] : vector<64x128xf32> -> vector<128x64xf32>
    %slice3A_2 = vector.extract_strided_slice %transpose3A {offsets = [0, 0], sizes = [64, 64], strides = [1, 1]} : vector<128x64xf32> to vector<64x64xf32>
    %swap3A = arith.constant 0 : index
    %swap3A_3 = arith.constant 0 : index
    %swap3A_4 = vector.load %arg2[%swap3A, %swap3A_3] : memref<2048x128xf32, #tpu.memory_space<vmem>>, vector<64x64xf32>
    tpu.vector_store %arg2[%swap3A, %swap3A_3], %slice3A_2 {strides = array<i32>} : memref<2048x128xf32, #tpu.memory_space<vmem>>, vector<64x64xf32>,
    %slice3A_5 = vector.extract_strided_slice %transpose3A {offsets = [64, 0], sizes = [64, 64], strides = [1, 1]} : vector<128x64xf32> to vector<64x64xf32>
    %swap3A_6 = arith.constant 0 : index
    %swap3A_7 = arith.constant 64 : index
    %swap3A_8 = vector.load %arg2[%swap3A_6, %swap3A_7] : memref<2048x128xf32, #tpu.memory_space<vmem>>, vector<64x64xf32>
    tpu.vector_store %arg2[%swap3A_6, %swap3A_7], %slice3A_5 {strides = array<i32>} : memref<2048x128xf32, #tpu.memory_space<vmem>>, vector<64x64xf32>,
    %slice3A_9 = vector.extract_strided_slice %get3A_1 {offsets = [0, 128], sizes = [64, 128], strides = [1, 1]} : vector<64x4096xf32> to vector<64x128xf32>
    %transpose3A_10 = tpu.transpose %slice3A_9, [1, 0] : vector<64x128xf32> -> vector<128x64xf32>
    %slice3A_11 = vector.extract_strided_slice %transpose3A_10 {offsets = [0, 0], sizes = [64, 64], strides = [1, 1]} : vector<128x64xf32> to vector<64x64xf32>
    %swap3A_12 = arith.constant 64 : index
    %swap3A_13 = arith.constant 0 : index
    %swap3A_14 = vector.load %arg2[%swap3A_12, %swap3A_13] : memref<2048x128xf32, #tpu.memory_space<vmem>>, vector<64x64xf32>
    tpu.vector_store %arg2[%swap3A_12, %swap3A_13], %slice3A_11 {strides = array<i32>} : memref<2048x128xf32, #tpu.memory_space<vmem>>, vector<64x64xf32>,
    %slice3A_15 = vector.extract_strided_slice %transpose3A_10 {offsets = [64, 0], sizes = [64, 64], strides = [1, 1]} : vector<128x64xf32> to vector<64x64xf32>
    %swap3A_16 = arith.constant 64 : index
    %swap3A_17 = arith.constant 64 : index
    %swap3A_18 = vector.load %arg2[%swap3A_16, %swap3A_17] : memref<2048x128xf32, #tpu.memory_space<vmem>>, vector<64x64xf32>
    tpu.vector_store %arg2[%swap3A_16, %swap3A_17], %slice3A_15 {strides = array<i32>} : memref<2048x128xf32, #tpu.memory_space<vmem>>, vector<64x64xf32>,
    %slice3A_19 = vector.extract_strided_slice %get3A_1 {offsets = [0, 256], sizes = [64, 128], strides = [1, 1]} : vector<64x4096xf32> to vector<64x128xf32>
    %transpose3A_20 = tpu.transpose %slice3A_19, [1, 0] : vector<64x128xf32> -> vector<128x64xf32>
    %slice3A_21 = vector.extract_strided_slice %transpose3A_20 {offsets = [0, 0], sizes = [64, 64], strides = [1, 1]} : vector<128x64xf32> to vector<64x64xf32>
    %swap3A_22 = arith.constant 128 : index
    %swap3A_23 = arith.constant 0 : index
    %swap3A_24 = vector.load %arg2[%swap3A_22, %swap3A_23] : memref<2048x128xf32, #tpu.memory_space<vmem>>, vector<64x64xf32>
    tpu.vector_store %arg2[%swap3A_22, %swap3A_23], %slice3A_21 {strides = array<i32>} : memref<2048x128xf32, #tpu.memory_space<vmem>>, vector<64x64xf32>,
    %slice3A_25 = vector.extract_strided_slice %transpose3A_20 {offsets = [64, 0], sizes = [64, 64], strides = [1, 1]} : vector<128x64xf32> to vector<64x64xf32>
    %swap3A_26 = arith.constant 128 : index
    %swap3A_27 = arith.constant 64 : index
    %swap3A_28 = vector.load %arg2[%swap3A_26, %swap3A_27] : memref<2048x128xf32, #tpu.memory_space<vmem>>, vector<64x64xf32>
    tpu.vector_store %arg2[%swap3A_26, %swap3A_27], %slice3A_25 {strides = array<i32>} : memref<2048x128xf32, #tpu.memory_space<vmem>>, vector<64x64xf32>,
    %slice3A_29 = vector.extract_strided_slice %get3A_1 {offsets = [0, 384], sizes = [64, 128], strides = [1, 1]} : vector<64x4096xf32> to vector<64x128xf32>
    %transpose3A_30 = tpu.transpose %slice3A_29, [1, 0] : vector<64x128xf32> -> vector<128x64xf32>
    %slice3A_31 = vector.extract_strided_slice %transpose3A_30 {offsets = [0, 0], sizes = [64, 64], strides = [1, 1]} : vector<128x64xf32> to vector<64x64xf32>
    %swap3A_32 = arith.constant 192 : index
    %swap3A_33 = arith.constant 0 : index
    %swap3A_34 = vector.load %arg2[%swap3A_32, %swap3A_33] : memref<2048x128xf32, #tpu.memory_space<vmem>>, vector<64x64xf32>
    tpu.vector_store %arg2[%swap3A_32, %swap3A_33], %slice3A_31 {strides = array<i32>} : memref<2048x128xf32, #tpu.memory_space<vmem>>, vector<64x64xf32>,
    %slice3A_35 = vector.extract_strided_slice %transpose3A_30 {offsets = [64, 0], sizes = [64, 64], strides = [1, 1]} : vector<128x64xf32> to vector<64x64xf32>
    %swap3A_36 = arith.constant 192 : index
    %swap3A_37 = arith.constant 64 : index
    %swap3A_38 = vector.load %arg2[%swap3A_36, %swap3A_37] : memref<2048x128xf32, #tpu.memory_space<vmem>>, vector<64x64xf32>
    tpu.vector_store %arg2[%swap3A_36, %swap3A_37], %slice3A_35 {strides = array<i32>} : memref<2048x128xf32, #tpu.memory_space<vmem>>, vector<64x64xf32>,
    %slice3A_39 = vector.extract_strided_slice %get3A_1 {offsets = [0, 512], sizes = [64, 128], strides = [1, 1]} : vector<64x4096xf32> to vector<64x128xf32>
    %transpose3A_40 = tpu.transpose %slice3A_39, [1, 0] : vector<64x128xf32> -> vector<128x64xf32>
    %slice3A_41 = vector.extract_strided_slice %transpose3A_40 {offsets = [0, 0], sizes = [64, 64], strides = [1, 1]} : vector<128x64xf32> to vector<64x64xf32>
    %swap3A_42 = arith.constant 256 : index
    %swap3A_43 = arith.constant 0 : index
    %swap3A_44 = vector.load %arg2[%swap3A_42, %swap3A_43] : memref<2048x128xf32, #tpu.memory_space<vmem>>, vector<64x64xf32>
    tpu.vector_store %arg2[%swap3A_42, %swap3A_43], %slice3A_41 {strides = array<i32>} : memref<2048x128xf32, #tpu.memory_space<vmem>>, vector<64x64xf32>,
    %slice3A_45 = vector.extract_strided_slice %transpose3A_40 {offsets = [64, 0], sizes = [64, 64], strides = [1, 1]} : vector<128x64xf32> to vector<64x64xf32>
    %swap3A_46 = arith.constant 256 : index
    %swap3A_47 = arith.constant 64 : index
    %swap3A_48 = vector.load %arg2[%swap3A_46, %swap3A_47] : memref<2048x128xf32, #tpu.memory_space<vmem>>, vector<64x64xf32>
    tpu.vector_store %arg2[%swap3A_46, %swap3A_47], %slice3A_45 {strides = array<i32>} : memref<2048x128xf32, #tpu.memory_space<vmem>>, vector<64x64xf32>,
    %slice3A_49 = vector.extract_strided_slice %get3A_1 {offsets = [0, 640], sizes = [64, 128], strides = [1, 1]} : vector<64x4096xf32> to vector<64x128xf32>
    %transpose3A_50 = tpu.transpose %slice3A_49, [1, 0] : vector<64x128xf32> -> vector<128x64xf32>
    %slice3A_51 = vector.extract_strided_slice %transpose3A_50 {offsets = [0, 0], sizes = [64, 64], strides = [1, 1]} : vector<128x64xf32> to vector<64x64xf32>
    %swap3A_52 = arith.constant 320 : index
    %swap3A_53 = arith.constant 0 : index
    %swap3A_54 = vector.load %arg2[%swap3A_52, %swap3A_53] : memref<2048x128xf32, #tpu.memory_space<vmem>>, vector<64x64xf32>
    tpu.vector_store %arg2[%swap3A_52, %swap3A_53], %slice3A_51 {strides = array<i32>} : memref<2048x128xf32, #tpu.memory_space<vmem>>, vector<64x64xf32>,
    %slice3A_55 = vector.extract_strided_slice %transpose3A_50 {offsets = [64, 0], sizes = [64, 64], strides = [1, 1]} : vector<128x64xf32> to vector<64x64xf32>
    %swap3A_56 = arith.constant 320 : index
    %swap3A_57 = arith.constant 64 : index
    %swap3A_58 = vector.load %arg2[%swap3A_56, %swap3A_57] : memref<2048x128xf32, #tpu.memory_space<vmem>>, vector<64x64xf32>
    tpu.vector_store %arg2[%swap3A_56, %swap3A_57], %slice3A_55 {strides = array<i32>} : memref<2048x128xf32, #tpu.memory_space<vmem>>, vector<64x64xf32>,
    %slice3A_59 = vector.extract_strided_slice %get3A_1 {offsets = [0, 768], sizes = [64, 128], strides = [1, 1]} : vector<64x4096xf32> to vector<64x128xf32>
    %transpose3A_60 = tpu.transpose %slice3A_59, [1, 0] : vector<64x128xf32> -> vector<128x64xf32>
    %slice3A_61 = vector.extract_strided_slice %transpose3A_60 {offsets = [0, 0], sizes = [64, 64], strides = [1, 1]} : vector<128x64xf32> to vector<64x64xf32>
    %swap3A_62 = arith.constant 384 : index
    %swap3A_63 = arith.constant 0 : index
    %swap3A_64 = vector.load %arg2[%swap3A_62, %swap3A_63] : memref<2048x128xf32, #tpu.memory_space<vmem>>, vector<64x64xf32>
    tpu.vector_store %arg2[%swap3A_62, %swap3A_63], %slice3A_61 {strides = array<i32>} : memref<2048x128xf32, #tpu.memory_space<vmem>>, vector<64x64xf32>,
    %slice3A_65 = vector.extract_strided_slice %transpose3A_60 {offsets = [64, 0], sizes = [64, 64], strides = [1, 1]} : vector<128x64xf32> to vector<64x64xf32>
    %swap3A_66 = arith.constant 384 : index
    %swap3A_67 = arith.constant 64 : index
    %swap3A_68 = vector.load %arg2[%swap3A_66, %swap3A_67] : memref<2048x128xf32, #tpu.memory_space<vmem>>, vector<64x64xf32>
    tpu.vector_store %arg2[%swap3A_66, %swap3A_67], %slice3A_65 {strides = array<i32>} : memref<2048x128xf32, #tpu.memory_space<vmem>>, vector<64x64xf32>,
    %slice3A_69 = vector.extract_strided_slice %get3A_1 {offsets = [0, 896], sizes = [64, 128], strides = [1, 1]} : vector<64x4096xf32> to vector<64x128xf32>
    %transpose3A_70 = tpu.transpose %slice3A_69, [1, 0] : vector<64x128xf32> -> vector<128x64xf32>
    %slice3A_71 = vector.extract_strided_slice %transpose3A_70 {offsets = [0, 0], sizes = [64, 64], strides = [1, 1]} : vector<128x64xf32> to vector<64x64xf32>
    %swap3A_72 = arith.constant 448 : index
    %swap3A_73 = arith.constant 0 : index
    %swap3A_74 = vector.load %arg2[%swap3A_72, %swap3A_73] : memref<2048x128xf32, #tpu.memory_space<vmem>>, vector<64x64xf32>
    tpu.vector_store %arg2[%swap3A_72, %swap3A_73], %slice3A_71 {strides = array<i32>} : memref<2048x128xf32, #tpu.memory_space<vmem>>, vector<64x64xf32>,
    %slice3A_75 = vector.extract_strided_slice %transpose3A_70 {offsets = [64, 0], sizes = [64, 64], strides = [1, 1]} : vector<128x64xf32> to vector<64x64xf32>
    %swap3A_76 = arith.constant 448 : index
    %swap3A_77 = arith.constant 64 : index
    %swap3A_78 = vector.load %arg2[%swap3A_76, %swap3A_77] : memref<2048x128xf32, #tpu.memory_space<vmem>>, vector<64x64xf32>
    tpu.vector_store %arg2[%swap3A_76, %swap3A_77], %slice3A_75 {strides = array<i32>} : memref<2048x128xf32, #tpu.memory_space<vmem>>, vector<64x64xf32>,
    %slice3A_79 = vector.extract_strided_slice %get3A_1 {offsets = [0, 1024], sizes = [64, 128], strides = [1, 1]} : vector<64x4096xf32> to vector<64x128xf32>
    %transpose3A_80 = tpu.transpose %slice3A_79, [1, 0] : vector<64x128xf32> -> vector<128x64xf32>
    %slice3A_81 = vector.extract_strided_slice %transpose3A_80 {offsets = [0, 0], sizes = [64, 64], strides = [1, 1]} : vector<128x64xf32> to vector<64x64xf32>
    %swap3A_82 = arith.constant 512 : index
    %swap3A_83 = arith.constant 0 : index
    %swap3A_84 = vector.load %arg2[%swap3A_82, %swap3A_83] : memref<2048x128xf32, #tpu.memory_space<vmem>>, vector<64x64xf32>
    tpu.vector_store %arg2[%swap3A_82, %swap3A_83], %slice3A_81 {strides = array<i32>} : memref<2048x128xf32, #tpu.memory_space<vmem>>, vector<64x64xf32>,
    %slice3A_85 = vector.extract_strided_slice %transpose3A_80 {offsets = [64, 0], sizes = [64, 64], strides = [1, 1]} : vector<128x64xf32> to vector<64x64xf32>
    %swap3A_86 = arith.constant 512 : index
    %swap3A_87 = arith.constant 64 : index
    %swap3A_88 = vector.load %arg2[%swap3A_86, %swap3A_87] : memref<2048x128xf32, #tpu.memory_space<vmem>>, vector<64x64xf32>
    tpu.vector_store %arg2[%swap3A_86, %swap3A_87], %slice3A_85 {strides = array<i32>} : memref<2048x128xf32, #tpu.memory_space<vmem>>, vector<64x64xf32>,
    %slice3A_89 = vector.extract_strided_slice %get3A_1 {offsets = [0, 1152], sizes = [64, 128], strides = [1, 1]} : vector<64x4096xf32> to vector<64x128xf32>
    %transpose3A_90 = tpu.transpose %slice3A_89, [1, 0] : vector<64x128xf32> -> vector<128x64xf32>
    %slice3A_91 = vector.extract_strided_slice %transpose3A_90 {offsets = [0, 0], sizes = [64, 64], strides = [1, 1]} : vector<128x64xf32> to vector<64x64xf32>
    %swap3A_92 = arith.constant 576 : index
    %swap3A_93 = arith.constant 0 : index
    %swap3A_94 = vector.load %arg2[%swap3A_92, %swap3A_93] : memref<2048x128xf32, #tpu.memory_space<vmem>>, vector<64x64xf32>
    tpu.vector_store %arg2[%swap3A_92, %swap3A_93], %slice3A_91 {strides = array<i32>} : memref<2048x128xf32, #tpu.memory_space<vmem>>, vector<64x64xf32>,
    %slice3A_95 = vector.extract_strided_slice %transpose3A_90 {offsets = [64, 0], sizes = [64, 64], strides = [1, 1]} : vector<128x64xf32> to vector<64x64xf32>
    %swap3A_96 = arith.constant 576 : index
    %swap3A_97 = arith.constant 64 : index
    %swap3A_98 = vector.load %arg2[%swap3A_96, %swap3A_97] : memref<2048x128xf32, #tpu.memory_space<vmem>>, vector<64x64xf32>
    tpu.vector_store %arg2[%swap3A_96, %swap3A_97], %slice3A_95 {strides = array<i32>} : memref<2048x128xf32, #tpu.memory_space<vmem>>, vector<64x64xf32>,
    %slice3A_99 = vector.extract_strided_slice %get3A_1 {offsets = [0, 1280], sizes = [64, 128], strides = [1, 1]} : vector<64x4096xf32> to vector<64x128xf32>
    %transpose3A_100 = tpu.transpose %slice3A_99, [1, 0] : vector<64x128xf32> -> vector<128x64xf32>
    %slice3A_101 = vector.extract_strided_slice %transpose3A_100 {offsets = [0, 0], sizes = [64, 64], strides = [1, 1]} : vector<128x64xf32> to vector<64x64xf32>
    %swap3A_102 = arith.constant 640 : index
    %swap3A_103 = arith.constant 0 : index
    %swap3A_104 = vector.load %arg2[%swap3A_102, %swap3A_103] : memref<2048x128xf32, #tpu.memory_space<vmem>>, vector<64x64xf32>
    tpu.vector_store %arg2[%swap3A_102, %swap3A_103], %slice3A_101 {strides = array<i32>} : memref<2048x128xf32, #tpu.memory_space<vmem>>, vector<64x64xf32>,
    %slice3A_105 = vector.extract_strided_slice %transpose3A_100 {offsets = [64, 0], sizes = [64, 64], strides = [1, 1]} : vector<128x64xf32> to vector<64x64xf32>
    %swap3A_106 = arith.constant 640 : index
    %swap3A_107 = arith.constant 64 : index
    %swap3A_108 = vector.load %arg2[%swap3A_106, %swap3A_107] : memref<2048x128xf32, #tpu.memory_space<vmem>>, vector<64x64xf32>
    tpu.vector_store %arg2[%swap3A_106, %swap3A_107], %slice3A_105 {strides = array<i32>} : memref<2048x128xf32, #tpu.memory_space<vmem>>, vector<64x64xf32>,
    %slice3A_109 = vector.extract_strided_slice %get3A_1 {offsets = [0, 1408], sizes = [64, 128], strides = [1, 1]} : vector<64x4096xf32> to vector<64x128xf32>
    %transpose3A_110 = tpu.transpose %slice3A_109, [1, 0] : vector<64x128xf32> -> vector<128x64xf32>
    %slice3A_111 = vector.extract_strided_slice %transpose3A_110 {offsets = [0, 0], sizes = [64, 64], strides = [1, 1]} : vector<128x64xf32> to vector<64x64xf32>
    %swap3A_112 = arith.constant 704 : index
    %swap3A_113 = arith.constant 0 : index
    %swap3A_114 = vector.load %arg2[%swap3A_112, %swap3A_113] : memref<2048x128xf32, #tpu.memory_space<vmem>>, vector<64x64xf32>
    tpu.vector_store %arg2[%swap3A_112, %swap3A_113], %slice3A_111 {strides = array<i32>} : memref<2048x128xf32, #tpu.memory_space<vmem>>, vector<64x64xf32>,
    %slice3A_115 = vector.extract_strided_slice %transpose3A_110 {offsets = [64, 0], sizes = [64, 64], strides = [1, 1]} : vector<128x64xf32> to vector<64x64xf32>
    %swap3A_116 = arith.constant 704 : index
    %swap3A_117 = arith.constant 64 : index
    %swap3A_118 = vector.load %arg2[%swap3A_116, %swap3A_117] : memref<2048x128xf32, #tpu.memory_space<vmem>>, vector<64x64xf32>
    tpu.vector_store %arg2[%swap3A_116, %swap3A_117], %slice3A_115 {strides = array<i32>} : memref<2048x128xf32, #tpu.memory_space<vmem>>, vector<64x64xf32>,
    %slice3A_119 = vector.extract_strided_slice %get3A_1 {offsets = [0, 1536], sizes = [64, 128], strides = [1, 1]} : vector<64x4096xf32> to vector<64x128xf32>
    %transpose3A_120 = tpu.transpose %slice3A_119, [1, 0] : vector<64x128xf32> -> vector<128x64xf32>
    %slice3A_121 = vector.extract_strided_slice %transpose3A_120 {offsets = [0, 0], sizes = [64, 64], strides = [1, 1]} : vector<128x64xf32> to vector<64x64xf32>
    %swap3A_122 = arith.constant 768 : index
    %swap3A_123 = arith.constant 0 : index
    %swap3A_124 = vector.load %arg2[%swap3A_122, %swap3A_123] : memref<2048x128xf32, #tpu.memory_space<vmem>>, vector<64x64xf32>
    tpu.vector_store %arg2[%swap3A_122, %swap3A_123], %slice3A_121 {strides = array<i32>} : memref<2048x128xf32, #tpu.memory_space<vmem>>, vector<64x64xf32>,
    %slice3A_125 = vector.extract_strided_slice %transpose3A_120 {offsets = [64, 0], sizes = [64, 64], strides = [1, 1]} : vector<128x64xf32> to vector<64x64xf32>
    %swap3A_126 = arith.constant 768 : index
    %swap3A_127 = arith.constant 64 : index
    %swap3A_128 = vector.load %arg2[%swap3A_126, %swap3A_127] : memref<2048x128xf32, #tpu.memory_space<vmem>>, vector<64x64xf32>
    tpu.vector_store %arg2[%swap3A_126, %swap3A_127], %slice3A_125 {strides = array<i32>} : memref<2048x128xf32, #tpu.memory_space<vmem>>, vector<64x64xf32>,
    %slice3A_129 = vector.extract_strided_slice %get3A_1 {offsets = [0, 1664], sizes = [64, 128], strides = [1, 1]} : vector<64x4096xf32> to vector<64x128xf32>
    %transpose3A_130 = tpu.transpose %slice3A_129, [1, 0] : vector<64x128xf32> -> vector<128x64xf32>
    %slice3A_131 = vector.extract_strided_slice %transpose3A_130 {offsets = [0, 0], sizes = [64, 64], strides = [1, 1]} : vector<128x64xf32> to vector<64x64xf32>
    %swap3A_132 = arith.constant 832 : index
    %swap3A_133 = arith.constant 0 : index
    %swap3A_134 = vector.load %arg2[%swap3A_132, %swap3A_133] : memref<2048x128xf32, #tpu.memory_space<vmem>>, vector<64x64xf32>
    tpu.vector_store %arg2[%swap3A_132, %swap3A_133], %slice3A_131 {strides = array<i32>} : memref<2048x128xf32, #tpu.memory_space<vmem>>, vector<64x64xf32>,
    %slice3A_135 = vector.extract_strided_slice %transpose3A_130 {offsets = [64, 0], sizes = [64, 64], strides = [1, 1]} : vector<128x64xf32> to vector<64x64xf32>
    %swap3A_136 = arith.constant 832 : index
    %swap3A_137 = arith.constant 64 : index
    %swap3A_138 = vector.load %arg2[%swap3A_136, %swap3A_137] : memref<2048x128xf32, #tpu.memory_space<vmem>>, vector<64x64xf32>
    tpu.vector_store %arg2[%swap3A_136, %swap3A_137], %slice3A_135 {strides = array<i32>} : memref<2048x128xf32, #tpu.memory_space<vmem>>, vector<64x64xf32>,
    %slice3A_139 = vector.extract_strided_slice %get3A_1 {offsets = [0, 1792], sizes = [64, 128], strides = [1, 1]} : vector<64x4096xf32> to vector<64x128xf32>
    %transpose3A_140 = tpu.transpose %slice3A_139, [1, 0] : vector<64x128xf32> -> vector<128x64xf32>
    %slice3A_141 = vector.extract_strided_slice %transpose3A_140 {offsets = [0, 0], sizes = [64, 64], strides = [1, 1]} : vector<128x64xf32> to vector<64x64xf32>
    %swap3A_142 = arith.constant 896 : index
    %swap3A_143 = arith.constant 0 : index
    %swap3A_144 = vector.load %arg2[%swap3A_142, %swap3A_143] : memref<2048x128xf32, #tpu.memory_space<vmem>>, vector<64x64xf32>
    tpu.vector_store %arg2[%swap3A_142, %swap3A_143], %slice3A_141 {strides = array<i32>} : memref<2048x128xf32, #tpu.memory_space<vmem>>, vector<64x64xf32>,
    %slice3A_145 = vector.extract_strided_slice %transpose3A_140 {offsets = [64, 0], sizes = [64, 64], strides = [1, 1]} : vector<128x64xf32> to vector<64x64xf32>
    %swap3A_146 = arith.constant 896 : index
    %swap3A_147 = arith.constant 64 : index
    %swap3A_148 = vector.load %arg2[%swap3A_146, %swap3A_147] : memref<2048x128xf32, #tpu.memory_space<vmem>>, vector<64x64xf32>
    tpu.vector_store %arg2[%swap3A_146, %swap3A_147], %slice3A_145 {strides = array<i32>} : memref<2048x128xf32, #tpu.memory_space<vmem>>, vector<64x64xf32>,
    %slice3A_149 = vector.extract_strided_slice %get3A_1 {offsets = [0, 1920], sizes = [64, 128], strides = [1, 1]} : vector<64x4096xf32> to vector<64x128xf32>
    %transpose3A_150 = tpu.transpose %slice3A_149, [1, 0] : vector<64x128xf32> -> vector<128x64xf32>
    %slice3A_151 = vector.extract_strided_slice %transpose3A_150 {offsets = [0, 0], sizes = [64, 64], strides = [1, 1]} : vector<128x64xf32> to vector<64x64xf32>
    %swap3A_152 = arith.constant 960 : index
    %swap3A_153 = arith.constant 0 : index
    %swap3A_154 = vector.load %arg2[%swap3A_152, %swap3A_153] : memref<2048x128xf32, #tpu.memory_space<vmem>>, vector<64x64xf32>
    tpu.vector_store %arg2[%swap3A_152, %swap3A_153], %slice3A_151 {strides = array<i32>} : memref<2048x128xf32, #tpu.memory_space<vmem>>, vector<64x64xf32>,
    %slice3A_155 = vector.extract_strided_slice %transpose3A_150 {offsets = [64, 0], sizes = [64, 64], strides = [1, 1]} : vector<128x64xf32> to vector<64x64xf32>
    %swap3A_156 = arith.constant 960 : index
    %swap3A_157 = arith.constant 64 : index
    %swap3A_158 = vector.load %arg2[%swap3A_156, %swap3A_157] : memref<2048x128xf32, #tpu.memory_space<vmem>>, vector<64x64xf32>
    tpu.vector_store %arg2[%swap3A_156, %swap3A_157], %slice3A_155 {strides = array<i32>} : memref<2048x128xf32, #tpu.memory_space<vmem>>, vector<64x64xf32>,
    %slice3A_159 = vector.extract_strided_slice %get3A_1 {offsets = [0, 2048], sizes = [64, 128], strides = [1, 1]} : vector<64x4096xf32> to vector<64x128xf32>
    %transpose3A_160 = tpu.transpose %slice3A_159, [1, 0] : vector<64x128xf32> -> vector<128x64xf32>
    %slice3A_161 = vector.extract_strided_slice %transpose3A_160 {offsets = [0, 0], sizes = [64, 64], strides = [1, 1]} : vector<128x64xf32> to vector<64x64xf32>
    %swap3A_162 = arith.constant 1024 : index
    %swap3A_163 = arith.constant 0 : index
    %swap3A_164 = vector.load %arg2[%swap3A_162, %swap3A_163] : memref<2048x128xf32, #tpu.memory_space<vmem>>, vector<64x64xf32>
    tpu.vector_store %arg2[%swap3A_162, %swap3A_163], %slice3A_161 {strides = array<i32>} : memref<2048x128xf32, #tpu.memory_space<vmem>>, vector<64x64xf32>,
    %slice3A_165 = vector.extract_strided_slice %transpose3A_160 {offsets = [64, 0], sizes = [64, 64], strides = [1, 1]} : vector<128x64xf32> to vector<64x64xf32>
    %swap3A_166 = arith.constant 1024 : index
    %swap3A_167 = arith.constant 64 : index
    %swap3A_168 = vector.load %arg2[%swap3A_166, %swap3A_167] : memref<2048x128xf32, #tpu.memory_space<vmem>>, vector<64x64xf32>
    tpu.vector_store %arg2[%swap3A_166, %swap3A_167], %slice3A_165 {strides = array<i32>} : memref<2048x128xf32, #tpu.memory_space<vmem>>, vector<64x64xf32>,
    %slice3A_169 = vector.extract_strided_slice %get3A_1 {offsets = [0, 2176], sizes = [64, 128], strides = [1, 1]} : vector<64x4096xf32> to vector<64x128xf32>
    %transpose3A_170 = tpu.transpose %slice3A_169, [1, 0] : vector<64x128xf32> -> vector<128x64xf32>
    %slice3A_171 = vector.extract_strided_slice %transpose3A_170 {offsets = [0, 0], sizes = [64, 64], strides = [1, 1]} : vector<128x64xf32> to vector<64x64xf32>
    %swap3A_172 = arith.constant 1088 : index
    %swap3A_173 = arith.constant 0 : index
    %swap3A_174 = vector.load %arg2[%swap3A_172, %swap3A_173] : memref<2048x128xf32, #tpu.memory_space<vmem>>, vector<64x64xf32>
    tpu.vector_store %arg2[%swap3A_172, %swap3A_173], %slice3A_171 {strides = array<i32>} : memref<2048x128xf32, #tpu.memory_space<vmem>>, vector<64x64xf32>,
    %slice3A_175 = vector.extract_strided_slice %transpose3A_170 {offsets = [64, 0], sizes = [64, 64], strides = [1, 1]} : vector<128x64xf32> to vector<64x64xf32>
    %swap3A_176 = arith.constant 1088 : index
    %swap3A_177 = arith.constant 64 : index
    %swap3A_178 = vector.load %arg2[%swap3A_176, %swap3A_177] : memref<2048x128xf32, #tpu.memory_space<vmem>>, vector<64x64xf32>
    tpu.vector_store %arg2[%swap3A_176, %swap3A_177], %slice3A_175 {strides = array<i32>} : memref<2048x128xf32, #tpu.memory_space<vmem>>, vector<64x64xf32>,
    %slice3A_179 = vector.extract_strided_slice %get3A_1 {offsets = [0, 2304], sizes = [64, 128], strides = [1, 1]} : vector<64x4096xf32> to vector<64x128xf32>
    %transpose3A_180 = tpu.transpose %slice3A_179, [1, 0] : vector<64x128xf32> -> vector<128x64xf32>
    %slice3A_181 = vector.extract_strided_slice %transpose3A_180 {offsets = [0, 0], sizes = [64, 64], strides = [1, 1]} : vector<128x64xf32> to vector<64x64xf32>
    %swap3A_182 = arith.constant 1152 : index
    %swap3A_183 = arith.constant 0 : index
    %swap3A_184 = vector.load %arg2[%swap3A_182, %swap3A_183] : memref<2048x128xf32, #tpu.memory_space<vmem>>, vector<64x64xf32>
    tpu.vector_store %arg2[%swap3A_182, %swap3A_183], %slice3A_181 {strides = array<i32>} : memref<2048x128xf32, #tpu.memory_space<vmem>>, vector<64x64xf32>,
    %slice3A_185 = vector.extract_strided_slice %transpose3A_180 {offsets = [64, 0], sizes = [64, 64], strides = [1, 1]} : vector<128x64xf32> to vector<64x64xf32>
    %swap3A_186 = arith.constant 1152 : index
    %swap3A_187 = arith.constant 64 : index
    %swap3A_188 = vector.load %arg2[%swap3A_186, %swap3A_187] : memref<2048x128xf32, #tpu.memory_space<vmem>>, vector<64x64xf32>
    tpu.vector_store %arg2[%swap3A_186, %swap3A_187], %slice3A_185 {strides = array<i32>} : memref<2048x128xf32, #tpu.memory_space<vmem>>, vector<64x64xf32>,
    %slice3A_189 = vector.extract_strided_slice %get3A_1 {offsets = [0, 2432], sizes = [64, 128], strides = [1, 1]} : vector<64x4096xf32> to vector<64x128xf32>
    %transpose3A_190 = tpu.transpose %slice3A_189, [1, 0] : vector<64x128xf32> -> vector<128x64xf32>
    %slice3A_191 = vector.extract_strided_slice %transpose3A_190 {offsets = [0, 0], sizes = [64, 64], strides = [1, 1]} : vector<128x64xf32> to vector<64x64xf32>
    %swap3A_192 = arith.constant 1216 : index
    %swap3A_193 = arith.constant 0 : index
    %swap3A_194 = vector.load %arg2[%swap3A_192, %swap3A_193] : memref<2048x128xf32, #tpu.memory_space<vmem>>, vector<64x64xf32>
    tpu.vector_store %arg2[%swap3A_192, %swap3A_193], %slice3A_191 {strides = array<i32>} : memref<2048x128xf32, #tpu.memory_space<vmem>>, vector<64x64xf32>,
    %slice3A_195 = vector.extract_strided_slice %transpose3A_190 {offsets = [64, 0], sizes = [64, 64], strides = [1, 1]} : vector<128x64xf32> to vector<64x64xf32>
    %swap3A_196 = arith.constant 1216 : index
    %swap3A_197 = arith.constant 64 : index
    %swap3A_198 = vector.load %arg2[%swap3A_196, %swap3A_197] : memref<2048x128xf32, #tpu.memory_space<vmem>>, vector<64x64xf32>
    tpu.vector_store %arg2[%swap3A_196, %swap3A_197], %slice3A_195 {strides = array<i32>} : memref<2048x128xf32, #tpu.memory_space<vmem>>, vector<64x64xf32>,
    %slice3A_199 = vector.extract_strided_slice %get3A_1 {offsets = [0, 2560], sizes = [64, 128], strides = [1, 1]} : vector<64x4096xf32> to vector<64x128xf32>
    %transpose3A_200 = tpu.transpose %slice3A_199, [1, 0] : vector<64x128xf32> -> vector<128x64xf32>
    %slice3A_201 = vector.extract_strided_slice %transpose3A_200 {offsets = [0, 0], sizes = [64, 64], strides = [1, 1]} : vector<128x64xf32> to vector<64x64xf32>
    %swap3A_202 = arith.constant 1280 : index
    %swap3A_203 = arith.constant 0 : index
    %swap3A_204 = vector.load %arg2[%swap3A_202, %swap3A_203] : memref<2048x128xf32, #tpu.memory_space<vmem>>, vector<64x64xf32>
    tpu.vector_store %arg2[%swap3A_202, %swap3A_203], %slice3A_201 {strides = array<i32>} : memref<2048x128xf32, #tpu.memory_space<vmem>>, vector<64x64xf32>,
    %slice3A_205 = vector.extract_strided_slice %transpose3A_200 {offsets = [64, 0], sizes = [64, 64], strides = [1, 1]} : vector<128x64xf32> to vector<64x64xf32>
    %swap3A_206 = arith.constant 1280 : index
    %swap3A_207 = arith.constant 64 : index
    %swap3A_208 = vector.load %arg2[%swap3A_206, %swap3A_207] : memref<2048x128xf32, #tpu.memory_space<vmem>>, vector<64x64xf32>
    tpu.vector_store %arg2[%swap3A_206, %swap3A_207], %slice3A_205 {strides = array<i32>} : memref<2048x128xf32, #tpu.memory_space<vmem>>, vector<64x64xf32>,
    %slice3A_209 = vector.extract_strided_slice %get3A_1 {offsets = [0, 2688], sizes = [64, 128], strides = [1, 1]} : vector<64x4096xf32> to vector<64x128xf32>
    %transpose3A_210 = tpu.transpose %slice3A_209, [1, 0] : vector<64x128xf32> -> vector<128x64xf32>
    %slice3A_211 = vector.extract_strided_slice %transpose3A_210 {offsets = [0, 0], sizes = [64, 64], strides = [1, 1]} : vector<128x64xf32> to vector<64x64xf32>
    %swap3A_212 = arith.constant 1344 : index
    %swap3A_213 = arith.constant 0 : index
    %swap3A_214 = vector.load %arg2[%swap3A_212, %swap3A_213] : memref<2048x128xf32, #tpu.memory_space<vmem>>, vector<64x64xf32>
    tpu.vector_store %arg2[%swap3A_212, %swap3A_213], %slice3A_211 {strides = array<i32>} : memref<2048x128xf32, #tpu.memory_space<vmem>>, vector<64x64xf32>,
    %slice3A_215 = vector.extract_strided_slice %transpose3A_210 {offsets = [64, 0], sizes = [64, 64], strides = [1, 1]} : vector<128x64xf32> to vector<64x64xf32>
    %swap3A_216 = arith.constant 1344 : index
    %swap3A_217 = arith.constant 64 : index
    %swap3A_218 = vector.load %arg2[%swap3A_216, %swap3A_217] : memref<2048x128xf32, #tpu.memory_space<vmem>>, vector<64x64xf32>
    tpu.vector_store %arg2[%swap3A_216, %swap3A_217], %slice3A_215 {strides = array<i32>} : memref<2048x128xf32, #tpu.memory_space<vmem>>, vector<64x64xf32>,
    %slice3A_219 = vector.extract_strided_slice %get3A_1 {offsets = [0, 2816], sizes = [64, 128], strides = [1, 1]} : vector<64x4096xf32> to vector<64x128xf32>
    %transpose3A_220 = tpu.transpose %slice3A_219, [1, 0] : vector<64x128xf32> -> vector<128x64xf32>
    %slice3A_221 = vector.extract_strided_slice %transpose3A_220 {offsets = [0, 0], sizes = [64, 64], strides = [1, 1]} : vector<128x64xf32> to vector<64x64xf32>
    %swap3A_222 = arith.constant 1408 : index
    %swap3A_223 = arith.constant 0 : index
    %swap3A_224 = vector.load %arg2[%swap3A_222, %swap3A_223] : memref<2048x128xf32, #tpu.memory_space<vmem>>, vector<64x64xf32>
    tpu.vector_store %arg2[%swap3A_222, %swap3A_223], %slice3A_221 {strides = array<i32>} : memref<2048x128xf32, #tpu.memory_space<vmem>>, vector<64x64xf32>,
    %slice3A_225 = vector.extract_strided_slice %transpose3A_220 {offsets = [64, 0], sizes = [64, 64], strides = [1, 1]} : vector<128x64xf32> to vector<64x64xf32>
    %swap3A_226 = arith.constant 1408 : index
    %swap3A_227 = arith.constant 64 : index
    %swap3A_228 = vector.load %arg2[%swap3A_226, %swap3A_227] : memref<2048x128xf32, #tpu.memory_space<vmem>>, vector<64x64xf32>
    tpu.vector_store %arg2[%swap3A_226, %swap3A_227], %slice3A_225 {strides = array<i32>} : memref<2048x128xf32, #tpu.memory_space<vmem>>, vector<64x64xf32>,
    %slice3A_229 = vector.extract_strided_slice %get3A_1 {offsets = [0, 2944], sizes = [64, 128], strides = [1, 1]} : vector<64x4096xf32> to vector<64x128xf32>
    %transpose3A_230 = tpu.transpose %slice3A_229, [1, 0] : vector<64x128xf32> -> vector<128x64xf32>
    %slice3A_231 = vector.extract_strided_slice %transpose3A_230 {offsets = [0, 0], sizes = [64, 64], strides = [1, 1]} : vector<128x64xf32> to vector<64x64xf32>
    %swap3A_232 = arith.constant 1472 : index
    %swap3A_233 = arith.constant 0 : index
    %swap3A_234 = vector.load %arg2[%swap3A_232, %swap3A_233] : memref<2048x128xf32, #tpu.memory_space<vmem>>, vector<64x64xf32>
    tpu.vector_store %arg2[%swap3A_232, %swap3A_233], %slice3A_231 {strides = array<i32>} : memref<2048x128xf32, #tpu.memory_space<vmem>>, vector<64x64xf32>,
    %slice3A_235 = vector.extract_strided_slice %transpose3A_230 {offsets = [64, 0], sizes = [64, 64], strides = [1, 1]} : vector<128x64xf32> to vector<64x64xf32>
    %swap3A_236 = arith.constant 1472 : index
    %swap3A_237 = arith.constant 64 : index
    %swap3A_238 = vector.load %arg2[%swap3A_236, %swap3A_237] : memref<2048x128xf32, #tpu.memory_space<vmem>>, vector<64x64xf32>
    tpu.vector_store %arg2[%swap3A_236, %swap3A_237], %slice3A_235 {strides = array<i32>} : memref<2048x128xf32, #tpu.memory_space<vmem>>, vector<64x64xf32>,
    %slice3A_239 = vector.extract_strided_slice %get3A_1 {offsets = [0, 3072], sizes = [64, 128], strides = [1, 1]} : vector<64x4096xf32> to vector<64x128xf32>
    %transpose3A_240 = tpu.transpose %slice3A_239, [1, 0] : vector<64x128xf32> -> vector<128x64xf32>
    %slice3A_241 = vector.extract_strided_slice %transpose3A_240 {offsets = [0, 0], sizes = [64, 64], strides = [1, 1]} : vector<128x64xf32> to vector<64x64xf32>
    %swap3A_242 = arith.constant 1536 : index
    %swap3A_243 = arith.constant 0 : index
    %swap3A_244 = vector.load %arg2[%swap3A_242, %swap3A_243] : memref<2048x128xf32, #tpu.memory_space<vmem>>, vector<64x64xf32>
    tpu.vector_store %arg2[%swap3A_242, %swap3A_243], %slice3A_241 {strides = array<i32>} : memref<2048x128xf32, #tpu.memory_space<vmem>>, vector<64x64xf32>,
    %slice3A_245 = vector.extract_strided_slice %transpose3A_240 {offsets = [64, 0], sizes = [64, 64], strides = [1, 1]} : vector<128x64xf32> to vector<64x64xf32>
    %swap3A_246 = arith.constant 1536 : index
    %swap3A_247 = arith.constant 64 : index
    %swap3A_248 = vector.load %arg2[%swap3A_246, %swap3A_247] : memref<2048x128xf32, #tpu.memory_space<vmem>>, vector<64x64xf32>
    tpu.vector_store %arg2[%swap3A_246, %swap3A_247], %slice3A_245 {strides = array<i32>} : memref<2048x128xf32, #tpu.memory_space<vmem>>, vector<64x64xf32>,
    %slice3A_249 = vector.extract_strided_slice %get3A_1 {offsets = [0, 3200], sizes = [64, 128], strides = [1, 1]} : vector<64x4096xf32> to vector<64x128xf32>
    %transpose3A_250 = tpu.transpose %slice3A_249, [1, 0] : vector<64x128xf32> -> vector<128x64xf32>
    %slice3A_251 = vector.extract_strided_slice %transpose3A_250 {offsets = [0, 0], sizes = [64, 64], strides = [1, 1]} : vector<128x64xf32> to vector<64x64xf32>
    %swap3A_252 = arith.constant 1600 : index
    %swap3A_253 = arith.constant 0 : index
    %swap3A_254 = vector.load %arg2[%swap3A_252, %swap3A_253] : memref<2048x128xf32, #tpu.memory_space<vmem>>, vector<64x64xf32>
    tpu.vector_store %arg2[%swap3A_252, %swap3A_253], %slice3A_251 {strides = array<i32>} : memref<2048x128xf32, #tpu.memory_space<vmem>>, vector<64x64xf32>,
    %slice3A_255 = vector.extract_strided_slice %transpose3A_250 {offsets = [64, 0], sizes = [64, 64], strides = [1, 1]} : vector<128x64xf32> to vector<64x64xf32>
    %swap3A_256 = arith.constant 1600 : index
    %swap3A_257 = arith.constant 64 : index
    %swap3A_258 = vector.load %arg2[%swap3A_256, %swap3A_257] : memref<2048x128xf32, #tpu.memory_space<vmem>>, vector<64x64xf32>
    tpu.vector_store %arg2[%swap3A_256, %swap3A_257], %slice3A_255 {strides = array<i32>} : memref<2048x128xf32, #tpu.memory_space<vmem>>, vector<64x64xf32>,
    %slice3A_259 = vector.extract_strided_slice %get3A_1 {offsets = [0, 3328], sizes = [64, 128], strides = [1, 1]} : vector<64x4096xf32> to vector<64x128xf32>
    %transpose3A_260 = tpu.transpose %slice3A_259, [1, 0] : vector<64x128xf32> -> vector<128x64xf32>
    %slice3A_261 = vector.extract_strided_slice %transpose3A_260 {offsets = [0, 0], sizes = [64, 64], strides = [1, 1]} : vector<128x64xf32> to vector<64x64xf32>
    %swap3A_262 = arith.constant 1664 : index
    %swap3A_263 = arith.constant 0 : index
    %swap3A_264 = vector.load %arg2[%swap3A_262, %swap3A_263] : memref<2048x128xf32, #tpu.memory_space<vmem>>, vector<64x64xf32>
    tpu.vector_store %arg2[%swap3A_262, %swap3A_263], %slice3A_261 {strides = array<i32>} : memref<2048x128xf32, #tpu.memory_space<vmem>>, vector<64x64xf32>,
    %slice3A_265 = vector.extract_strided_slice %transpose3A_260 {offsets = [64, 0], sizes = [64, 64], strides = [1, 1]} : vector<128x64xf32> to vector<64x64xf32>
    %swap3A_266 = arith.constant 1664 : index
    %swap3A_267 = arith.constant 64 : index
    %swap3A_268 = vector.load %arg2[%swap3A_266, %swap3A_267] : memref<2048x128xf32, #tpu.memory_space<vmem>>, vector<64x64xf32>
    tpu.vector_store %arg2[%swap3A_266, %swap3A_267], %slice3A_265 {strides = array<i32>} : memref<2048x128xf32, #tpu.memory_space<vmem>>, vector<64x64xf32>,
    %slice3A_269 = vector.extract_strided_slice %get3A_1 {offsets = [0, 3456], sizes = [64, 128], strides = [1, 1]} : vector<64x4096xf32> to vector<64x128xf32>
    %transpose3A_270 = tpu.transpose %slice3A_269, [1, 0] : vector<64x128xf32> -> vector<128x64xf32>
    %slice3A_271 = vector.extract_strided_slice %transpose3A_270 {offsets = [0, 0], sizes = [64, 64], strides = [1, 1]} : vector<128x64xf32> to vector<64x64xf32>
    %swap3A_272 = arith.constant 1728 : index
    %swap3A_273 = arith.constant 0 : index
    %swap3A_274 = vector.load %arg2[%swap3A_272, %swap3A_273] : memref<2048x128xf32, #tpu.memory_space<vmem>>, vector<64x64xf32>
    tpu.vector_store %arg2[%swap3A_272, %swap3A_273], %slice3A_271 {strides = array<i32>} : memref<2048x128xf32, #tpu.memory_space<vmem>>, vector<64x64xf32>,
    %slice3A_275 = vector.extract_strided_slice %transpose3A_270 {offsets = [64, 0], sizes = [64, 64], strides = [1, 1]} : vector<128x64xf32> to vector<64x64xf32>
    %swap3A_276 = arith.constant 1728 : index
    %swap3A_277 = arith.constant 64 : index
    %swap3A_278 = vector.load %arg2[%swap3A_276, %swap3A_277] : memref<2048x128xf32, #tpu.memory_space<vmem>>, vector<64x64xf32>
    tpu.vector_store %arg2[%swap3A_276, %swap3A_277], %slice3A_275 {strides = array<i32>} : memref<2048x128xf32, #tpu.memory_space<vmem>>, vector<64x64xf32>,
    %slice3A_279 = vector.extract_strided_slice %get3A_1 {offsets = [0, 3584], sizes = [64, 128], strides = [1, 1]} : vector<64x4096xf32> to vector<64x128xf32>
    %transpose3A_280 = tpu.transpose %slice3A_279, [1, 0] : vector<64x128xf32> -> vector<128x64xf32>
    %slice3A_281 = vector.extract_strided_slice %transpose3A_280 {offsets = [0, 0], sizes = [64, 64], strides = [1, 1]} : vector<128x64xf32> to vector<64x64xf32>
    %swap3A_282 = arith.constant 1792 : index
    %swap3A_283 = arith.constant 0 : index
    %swap3A_284 = vector.load %arg2[%swap3A_282, %swap3A_283] : memref<2048x128xf32, #tpu.memory_space<vmem>>, vector<64x64xf32>
    tpu.vector_store %arg2[%swap3A_282, %swap3A_283], %slice3A_281 {strides = array<i32>} : memref<2048x128xf32, #tpu.memory_space<vmem>>, vector<64x64xf32>,
    %slice3A_285 = vector.extract_strided_slice %transpose3A_280 {offsets = [64, 0], sizes = [64, 64], strides = [1, 1]} : vector<128x64xf32> to vector<64x64xf32>
    %swap3A_286 = arith.constant 1792 : index
    %swap3A_287 = arith.constant 64 : index
    %swap3A_288 = vector.load %arg2[%swap3A_286, %swap3A_287] : memref<2048x128xf32, #tpu.memory_space<vmem>>, vector<64x64xf32>
    tpu.vector_store %arg2[%swap3A_286, %swap3A_287], %slice3A_285 {strides = array<i32>} : memref<2048x128xf32, #tpu.memory_space<vmem>>, vector<64x64xf32>,
    %slice3A_289 = vector.extract_strided_slice %get3A_1 {offsets = [0, 3712], sizes = [64, 128], strides = [1, 1]} : vector<64x4096xf32> to vector<64x128xf32>
    %transpose3A_290 = tpu.transpose %slice3A_289, [1, 0] : vector<64x128xf32> -> vector<128x64xf32>
    %slice3A_291 = vector.extract_strided_slice %transpose3A_290 {offsets = [0, 0], sizes = [64, 64], strides = [1, 1]} : vector<128x64xf32> to vector<64x64xf32>
    %swap3A_292 = arith.constant 1856 : index
    %swap3A_293 = arith.constant 0 : index
    %swap3A_294 = vector.load %arg2[%swap3A_292, %swap3A_293] : memref<2048x128xf32, #tpu.memory_space<vmem>>, vector<64x64xf32>
    tpu.vector_store %arg2[%swap3A_292, %swap3A_293], %slice3A_291 {strides = array<i32>} : memref<2048x128xf32, #tpu.memory_space<vmem>>, vector<64x64xf32>,
    %slice3A_295 = vector.extract_strided_slice %transpose3A_290 {offsets = [64, 0], sizes = [64, 64], strides = [1, 1]} : vector<128x64xf32> to vector<64x64xf32>
    %swap3A_296 = arith.constant 1856 : index
    %swap3A_297 = arith.constant 64 : index
    %swap3A_298 = vector.load %arg2[%swap3A_296, %swap3A_297] : memref<2048x128xf32, #tpu.memory_space<vmem>>, vector<64x64xf32>
    tpu.vector_store %arg2[%swap3A_296, %swap3A_297], %slice3A_295 {strides = array<i32>} : memref<2048x128xf32, #tpu.memory_space<vmem>>, vector<64x64xf32>,
    %slice3A_299 = vector.extract_strided_slice %get3A_1 {offsets = [0, 3840], sizes = [64, 128], strides = [1, 1]} : vector<64x4096xf32> to vector<64x128xf32>
    %transpose3A_300 = tpu.transpose %slice3A_299, [1, 0] : vector<64x128xf32> -> vector<128x64xf32>
    %slice3A_301 = vector.extract_strided_slice %transpose3A_300 {offsets = [0, 0], sizes = [64, 64], strides = [1, 1]} : vector<128x64xf32> to vector<64x64xf32>
    %swap3A_302 = arith.constant 1920 : index
    %swap3A_303 = arith.constant 0 : index
    %swap3A_304 = vector.load %arg2[%swap3A_302, %swap3A_303] : memref<2048x128xf32, #tpu.memory_space<vmem>>, vector<64x64xf32>
    tpu.vector_store %arg2[%swap3A_302, %swap3A_303], %slice3A_301 {strides = array<i32>} : memref<2048x128xf32, #tpu.memory_space<vmem>>, vector<64x64xf32>,
    %slice3A_305 = vector.extract_strided_slice %transpose3A_300 {offsets = [64, 0], sizes = [64, 64], strides = [1, 1]} : vector<128x64xf32> to vector<64x64xf32>
    %swap3A_306 = arith.constant 1920 : index
    %swap3A_307 = arith.constant 64 : index
    %swap3A_308 = vector.load %arg2[%swap3A_306, %swap3A_307] : memref<2048x128xf32, #tpu.memory_space<vmem>>, vector<64x64xf32>
    tpu.vector_store %arg2[%swap3A_306, %swap3A_307], %slice3A_305 {strides = array<i32>} : memref<2048x128xf32, #tpu.memory_space<vmem>>, vector<64x64xf32>,
    %slice3A_309 = vector.extract_strided_slice %get3A_1 {offsets = [0, 3968], sizes = [64, 128], strides = [1, 1]} : vector<64x4096xf32> to vector<64x128xf32>
    %transpose3A_310 = tpu.transpose %slice3A_309, [1, 0] : vector<64x128xf32> -> vector<128x64xf32>
    %slice3A_311 = vector.extract_strided_slice %transpose3A_310 {offsets = [0, 0], sizes = [64, 64], strides = [1, 1]} : vector<128x64xf32> to vector<64x64xf32>
    %swap3A_312 = arith.constant 1984 : index
    %swap3A_313 = arith.constant 0 : index
    %swap3A_314 = vector.load %arg2[%swap3A_312, %swap3A_313] : memref<2048x128xf32, #tpu.memory_space<vmem>>, vector<64x64xf32>
    tpu.vector_store %arg2[%swap3A_312, %swap3A_313], %slice3A_311 {strides = array<i32>} : memref<2048x128xf32, #tpu.memory_space<vmem>>, vector<64x64xf32>,
    %slice3A_315 = vector.extract_strided_slice %transpose3A_310 {offsets = [64, 0], sizes = [64, 64], strides = [1, 1]} : vector<128x64xf32> to vector<64x64xf32>
    %swap3A_316 = arith.constant 1984 : index
    %swap3A_317 = arith.constant 64 : index
    %swap3A_318 = vector.load %arg2[%swap3A_316, %swap3A_317] : memref<2048x128xf32, #tpu.memory_space<vmem>>, vector<64x64xf32>
    tpu.vector_store %arg2[%swap3A_316, %swap3A_317], %slice3A_315 {strides = array<i32>} : memref<2048x128xf32, #tpu.memory_space<vmem>>, vector<64x64xf32>,
    return
  }
  func.func @transform_0(%arg0: i32) -> (i32, i32) {
    %c0_i32 = arith.constant 0 : i32
    %c0_i32_0 = arith.constant 0 : i32
    return %c0_i32, %arg0 : i32, i32
  }
  func.func @transform_1(%arg0: i32) -> (i32, i32) {
    %c0_i32 = arith.constant 0 : i32
    %c0_i32_0 = arith.constant 0 : i32
    return %arg0, %c0_i32 : i32, i32
  }
}

module attributes {stable_mosaic.version = 14 : i64} {
  func.func @_retile_kernel(%arg0: i32, %arg1: memref<3200x128xf32, #tpu.memory_space<vmem>>, %arg2: memref<50x8x1x8x128xf32, #tpu.memory_space<vmem>>) attributes {dimension_semantics = [#tpu.dimension_semantics<arbitrary>], iteration_bounds = array<i64: 128>, scalar_prefetch = 0 : i64, scratch_operands = 0 : i64, tpu.core_type = #tpu.core_type<tc>, window_params = [{transform_indices = @transform_0, window_bounds = array<i64: 3200, 128>}, {transform_indices = @transform_1, window_bounds = array<i64: 50, 8, 1, 8, 128>}]} {
    %get3A = arith.constant 0 : index
    %get3A_0 = arith.constant 0 : index
    %get3A_1 = vector.load %arg1[%get3A, %get3A_0] : memref<3200x128xf32, #tpu.memory_space<vmem>>, vector<3200x128xf32>
    %reshape3A = vector.shape_cast %get3A_1 : vector<3200x128xf32> to vector<128x25x128xf32>
    %slice3A = vector.extract_strided_slice %reshape3A {offsets = [0, 0, 0], sizes = [128, 1, 128], strides = [1, 1, 1]} : vector<128x25x128xf32> to vector<128x1x128xf32>
    %squeeze3A = vector.shape_cast %slice3A : vector<128x1x128xf32> to vector<128x128xf32>
    %transpose3A = tpu.transpose %squeeze3A, [1, 0] : vector<128x128xf32> -> vector<128x128xf32>
    %slice3A_2 = vector.extract_strided_slice %transpose3A {offsets = [0, 0], sizes = [64, 128], strides = [1, 1]} : vector<128x128xf32> to vector<64x128xf32>
    %reshape3A_3 = vector.shape_cast %slice3A_2 : vector<64x128xf32> to vector<8x8x128xf32>
    %swap3A = arith.constant 0 : index
    %swap3A_4 = arith.constant 0 : index
    %swap3A_5 = arith.constant 0 : index
    %swap3A_6 = arith.constant 0 : index
    %swap3A_7 = arith.constant 0 : index
    %swap3A_8 = vector.load %arg2[%swap3A, %swap3A_4, %swap3A_5, %swap3A_6, %swap3A_7] : memref<50x8x1x8x128xf32, #tpu.memory_space<vmem>>, vector<1x8x1x8x128xf32>
    %swap3A_9 = vector.shape_cast %swap3A_8 : vector<1x8x1x8x128xf32> to vector<8x8x128xf32>
    %swap3A_10 = vector.shape_cast %reshape3A_3 : vector<8x8x128xf32> to vector<1x8x1x8x128xf32>
    tpu.vector_store %arg2[%swap3A, %swap3A_4, %swap3A_5, %swap3A_6, %swap3A_7], %swap3A_10 {strides = array<i32>} : memref<50x8x1x8x128xf32, #tpu.memory_space<vmem>>, vector<1x8x1x8x128xf32>,
    %slice3A_11 = vector.extract_strided_slice %transpose3A {offsets = [64, 0], sizes = [64, 128], strides = [1, 1]} : vector<128x128xf32> to vector<64x128xf32>
    %reshape3A_12 = vector.shape_cast %slice3A_11 : vector<64x128xf32> to vector<8x8x128xf32>
    %swap3A_13 = arith.constant 1 : index
    %swap3A_14 = arith.constant 0 : index
    %swap3A_15 = arith.constant 0 : index
    %swap3A_16 = arith.constant 0 : index
    %swap3A_17 = arith.constant 0 : index
    %swap3A_18 = vector.load %arg2[%swap3A_13, %swap3A_14, %swap3A_15, %swap3A_16, %swap3A_17] : memref<50x8x1x8x128xf32, #tpu.memory_space<vmem>>, vector<1x8x1x8x128xf32>
    %swap3A_19 = vector.shape_cast %swap3A_18 : vector<1x8x1x8x128xf32> to vector<8x8x128xf32>
    %swap3A_20 = vector.shape_cast %reshape3A_12 : vector<8x8x128xf32> to vector<1x8x1x8x128xf32>
    tpu.vector_store %arg2[%swap3A_13, %swap3A_14, %swap3A_15, %swap3A_16, %swap3A_17], %swap3A_20 {strides = array<i32>} : memref<50x8x1x8x128xf32, #tpu.memory_space<vmem>>, vector<1x8x1x8x128xf32>,
    %slice3A_21 = vector.extract_strided_slice %reshape3A {offsets = [0, 1, 0], sizes = [128, 1, 128], strides = [1, 1, 1]} : vector<128x25x128xf32> to vector<128x1x128xf32>
    %squeeze3A_22 = vector.shape_cast %slice3A_21 : vector<128x1x128xf32> to vector<128x128xf32>
    %transpose3A_23 = tpu.transpose %squeeze3A_22, [1, 0] : vector<128x128xf32> -> vector<128x128xf32>
    %slice3A_24 = vector.extract_strided_slice %transpose3A_23 {offsets = [0, 0], sizes = [64, 128], strides = [1, 1]} : vector<128x128xf32> to vector<64x128xf32>
    %reshape3A_25 = vector.shape_cast %slice3A_24 : vector<64x128xf32> to vector<8x8x128xf32>
    %swap3A_26 = arith.constant 2 : index
    %swap3A_27 = arith.constant 0 : index
    %swap3A_28 = arith.constant 0 : index
    %swap3A_29 = arith.constant 0 : index
    %swap3A_30 = arith.constant 0 : index
    %swap3A_31 = vector.load %arg2[%swap3A_26, %swap3A_27, %swap3A_28, %swap3A_29, %swap3A_30] : memref<50x8x1x8x128xf32, #tpu.memory_space<vmem>>, vector<1x8x1x8x128xf32>
    %swap3A_32 = vector.shape_cast %swap3A_31 : vector<1x8x1x8x128xf32> to vector<8x8x128xf32>
    %swap3A_33 = vector.shape_cast %reshape3A_25 : vector<8x8x128xf32> to vector<1x8x1x8x128xf32>
    tpu.vector_store %arg2[%swap3A_26, %swap3A_27, %swap3A_28, %swap3A_29, %swap3A_30], %swap3A_33 {strides = array<i32>} : memref<50x8x1x8x128xf32, #tpu.memory_space<vmem>>, vector<1x8x1x8x128xf32>,
    %slice3A_34 = vector.extract_strided_slice %transpose3A_23 {offsets = [64, 0], sizes = [64, 128], strides = [1, 1]} : vector<128x128xf32> to vector<64x128xf32>
    %reshape3A_35 = vector.shape_cast %slice3A_34 : vector<64x128xf32> to vector<8x8x128xf32>
    %swap3A_36 = arith.constant 3 : index
    %swap3A_37 = arith.constant 0 : index
    %swap3A_38 = arith.constant 0 : index
    %swap3A_39 = arith.constant 0 : index
    %swap3A_40 = arith.constant 0 : index
    %swap3A_41 = vector.load %arg2[%swap3A_36, %swap3A_37, %swap3A_38, %swap3A_39, %swap3A_40] : memref<50x8x1x8x128xf32, #tpu.memory_space<vmem>>, vector<1x8x1x8x128xf32>
    %swap3A_42 = vector.shape_cast %swap3A_41 : vector<1x8x1x8x128xf32> to vector<8x8x128xf32>
    %swap3A_43 = vector.shape_cast %reshape3A_35 : vector<8x8x128xf32> to vector<1x8x1x8x128xf32>
    tpu.vector_store %arg2[%swap3A_36, %swap3A_37, %swap3A_38, %swap3A_39, %swap3A_40], %swap3A_43 {strides = array<i32>} : memref<50x8x1x8x128xf32, #tpu.memory_space<vmem>>, vector<1x8x1x8x128xf32>,
    %slice3A_44 = vector.extract_strided_slice %reshape3A {offsets = [0, 2, 0], sizes = [128, 1, 128], strides = [1, 1, 1]} : vector<128x25x128xf32> to vector<128x1x128xf32>
    %squeeze3A_45 = vector.shape_cast %slice3A_44 : vector<128x1x128xf32> to vector<128x128xf32>
    %transpose3A_46 = tpu.transpose %squeeze3A_45, [1, 0] : vector<128x128xf32> -> vector<128x128xf32>
    %slice3A_47 = vector.extract_strided_slice %transpose3A_46 {offsets = [0, 0], sizes = [64, 128], strides = [1, 1]} : vector<128x128xf32> to vector<64x128xf32>
    %reshape3A_48 = vector.shape_cast %slice3A_47 : vector<64x128xf32> to vector<8x8x128xf32>
    %swap3A_49 = arith.constant 4 : index
    %swap3A_50 = arith.constant 0 : index
    %swap3A_51 = arith.constant 0 : index
    %swap3A_52 = arith.constant 0 : index
    %swap3A_53 = arith.constant 0 : index
    %swap3A_54 = vector.load %arg2[%swap3A_49, %swap3A_50, %swap3A_51, %swap3A_52, %swap3A_53] : memref<50x8x1x8x128xf32, #tpu.memory_space<vmem>>, vector<1x8x1x8x128xf32>
    %swap3A_55 = vector.shape_cast %swap3A_54 : vector<1x8x1x8x128xf32> to vector<8x8x128xf32>
    %swap3A_56 = vector.shape_cast %reshape3A_48 : vector<8x8x128xf32> to vector<1x8x1x8x128xf32>
    tpu.vector_store %arg2[%swap3A_49, %swap3A_50, %swap3A_51, %swap3A_52, %swap3A_53], %swap3A_56 {strides = array<i32>} : memref<50x8x1x8x128xf32, #tpu.memory_space<vmem>>, vector<1x8x1x8x128xf32>,
    %slice3A_57 = vector.extract_strided_slice %transpose3A_46 {offsets = [64, 0], sizes = [64, 128], strides = [1, 1]} : vector<128x128xf32> to vector<64x128xf32>
    %reshape3A_58 = vector.shape_cast %slice3A_57 : vector<64x128xf32> to vector<8x8x128xf32>
    %swap3A_59 = arith.constant 5 : index
    %swap3A_60 = arith.constant 0 : index
    %swap3A_61 = arith.constant 0 : index
    %swap3A_62 = arith.constant 0 : index
    %swap3A_63 = arith.constant 0 : index
    %swap3A_64 = vector.load %arg2[%swap3A_59, %swap3A_60, %swap3A_61, %swap3A_62, %swap3A_63] : memref<50x8x1x8x128xf32, #tpu.memory_space<vmem>>, vector<1x8x1x8x128xf32>
    %swap3A_65 = vector.shape_cast %swap3A_64 : vector<1x8x1x8x128xf32> to vector<8x8x128xf32>
    %swap3A_66 = vector.shape_cast %reshape3A_58 : vector<8x8x128xf32> to vector<1x8x1x8x128xf32>
    tpu.vector_store %arg2[%swap3A_59, %swap3A_60, %swap3A_61, %swap3A_62, %swap3A_63], %swap3A_66 {strides = array<i32>} : memref<50x8x1x8x128xf32, #tpu.memory_space<vmem>>, vector<1x8x1x8x128xf32>,
    %slice3A_67 = vector.extract_strided_slice %reshape3A {offsets = [0, 3, 0], sizes = [128, 1, 128], strides = [1, 1, 1]} : vector<128x25x128xf32> to vector<128x1x128xf32>
    %squeeze3A_68 = vector.shape_cast %slice3A_67 : vector<128x1x128xf32> to vector<128x128xf32>
    %transpose3A_69 = tpu.transpose %squeeze3A_68, [1, 0] : vector<128x128xf32> -> vector<128x128xf32>
    %slice3A_70 = vector.extract_strided_slice %transpose3A_69 {offsets = [0, 0], sizes = [64, 128], strides = [1, 1]} : vector<128x128xf32> to vector<64x128xf32>
    %reshape3A_71 = vector.shape_cast %slice3A_70 : vector<64x128xf32> to vector<8x8x128xf32>
    %swap3A_72 = arith.constant 6 : index
    %swap3A_73 = arith.constant 0 : index
    %swap3A_74 = arith.constant 0 : index
    %swap3A_75 = arith.constant 0 : index
    %swap3A_76 = arith.constant 0 : index
    %swap3A_77 = vector.load %arg2[%swap3A_72, %swap3A_73, %swap3A_74, %swap3A_75, %swap3A_76] : memref<50x8x1x8x128xf32, #tpu.memory_space<vmem>>, vector<1x8x1x8x128xf32>
    %swap3A_78 = vector.shape_cast %swap3A_77 : vector<1x8x1x8x128xf32> to vector<8x8x128xf32>
    %swap3A_79 = vector.shape_cast %reshape3A_71 : vector<8x8x128xf32> to vector<1x8x1x8x128xf32>
    tpu.vector_store %arg2[%swap3A_72, %swap3A_73, %swap3A_74, %swap3A_75, %swap3A_76], %swap3A_79 {strides = array<i32>} : memref<50x8x1x8x128xf32, #tpu.memory_space<vmem>>, vector<1x8x1x8x128xf32>,
    %slice3A_80 = vector.extract_strided_slice %transpose3A_69 {offsets = [64, 0], sizes = [64, 128], strides = [1, 1]} : vector<128x128xf32> to vector<64x128xf32>
    %reshape3A_81 = vector.shape_cast %slice3A_80 : vector<64x128xf32> to vector<8x8x128xf32>
    %swap3A_82 = arith.constant 7 : index
    %swap3A_83 = arith.constant 0 : index
    %swap3A_84 = arith.constant 0 : index
    %swap3A_85 = arith.constant 0 : index
    %swap3A_86 = arith.constant 0 : index
    %swap3A_87 = vector.load %arg2[%swap3A_82, %swap3A_83, %swap3A_84, %swap3A_85, %swap3A_86] : memref<50x8x1x8x128xf32, #tpu.memory_space<vmem>>, vector<1x8x1x8x128xf32>
    %swap3A_88 = vector.shape_cast %swap3A_87 : vector<1x8x1x8x128xf32> to vector<8x8x128xf32>
    %swap3A_89 = vector.shape_cast %reshape3A_81 : vector<8x8x128xf32> to vector<1x8x1x8x128xf32>
    tpu.vector_store %arg2[%swap3A_82, %swap3A_83, %swap3A_84, %swap3A_85, %swap3A_86], %swap3A_89 {strides = array<i32>} : memref<50x8x1x8x128xf32, #tpu.memory_space<vmem>>, vector<1x8x1x8x128xf32>,
    %slice3A_90 = vector.extract_strided_slice %reshape3A {offsets = [0, 4, 0], sizes = [128, 1, 128], strides = [1, 1, 1]} : vector<128x25x128xf32> to vector<128x1x128xf32>
    %squeeze3A_91 = vector.shape_cast %slice3A_90 : vector<128x1x128xf32> to vector<128x128xf32>
    %transpose3A_92 = tpu.transpose %squeeze3A_91, [1, 0] : vector<128x128xf32> -> vector<128x128xf32>
    %slice3A_93 = vector.extract_strided_slice %transpose3A_92 {offsets = [0, 0], sizes = [64, 128], strides = [1, 1]} : vector<128x128xf32> to vector<64x128xf32>
    %reshape3A_94 = vector.shape_cast %slice3A_93 : vector<64x128xf32> to vector<8x8x128xf32>
    %swap3A_95 = arith.constant 8 : index
    %swap3A_96 = arith.constant 0 : index
    %swap3A_97 = arith.constant 0 : index
    %swap3A_98 = arith.constant 0 : index
    %swap3A_99 = arith.constant 0 : index
    %swap3A_100 = vector.load %arg2[%swap3A_95, %swap3A_96, %swap3A_97, %swap3A_98, %swap3A_99] : memref<50x8x1x8x128xf32, #tpu.memory_space<vmem>>, vector<1x8x1x8x128xf32>
    %swap3A_101 = vector.shape_cast %swap3A_100 : vector<1x8x1x8x128xf32> to vector<8x8x128xf32>
    %swap3A_102 = vector.shape_cast %reshape3A_94 : vector<8x8x128xf32> to vector<1x8x1x8x128xf32>
    tpu.vector_store %arg2[%swap3A_95, %swap3A_96, %swap3A_97, %swap3A_98, %swap3A_99], %swap3A_102 {strides = array<i32>} : memref<50x8x1x8x128xf32, #tpu.memory_space<vmem>>, vector<1x8x1x8x128xf32>,
    %slice3A_103 = vector.extract_strided_slice %transpose3A_92 {offsets = [64, 0], sizes = [64, 128], strides = [1, 1]} : vector<128x128xf32> to vector<64x128xf32>
    %reshape3A_104 = vector.shape_cast %slice3A_103 : vector<64x128xf32> to vector<8x8x128xf32>
    %swap3A_105 = arith.constant 9 : index
    %swap3A_106 = arith.constant 0 : index
    %swap3A_107 = arith.constant 0 : index
    %swap3A_108 = arith.constant 0 : index
    %swap3A_109 = arith.constant 0 : index
    %swap3A_110 = vector.load %arg2[%swap3A_105, %swap3A_106, %swap3A_107, %swap3A_108, %swap3A_109] : memref<50x8x1x8x128xf32, #tpu.memory_space<vmem>>, vector<1x8x1x8x128xf32>
    %swap3A_111 = vector.shape_cast %swap3A_110 : vector<1x8x1x8x128xf32> to vector<8x8x128xf32>
    %swap3A_112 = vector.shape_cast %reshape3A_104 : vector<8x8x128xf32> to vector<1x8x1x8x128xf32>
    tpu.vector_store %arg2[%swap3A_105, %swap3A_106, %swap3A_107, %swap3A_108, %swap3A_109], %swap3A_112 {strides = array<i32>} : memref<50x8x1x8x128xf32, #tpu.memory_space<vmem>>, vector<1x8x1x8x128xf32>,
    %slice3A_113 = vector.extract_strided_slice %reshape3A {offsets = [0, 5, 0], sizes = [128, 1, 128], strides = [1, 1, 1]} : vector<128x25x128xf32> to vector<128x1x128xf32>
    %squeeze3A_114 = vector.shape_cast %slice3A_113 : vector<128x1x128xf32> to vector<128x128xf32>
    %transpose3A_115 = tpu.transpose %squeeze3A_114, [1, 0] : vector<128x128xf32> -> vector<128x128xf32>
    %slice3A_116 = vector.extract_strided_slice %transpose3A_115 {offsets = [0, 0], sizes = [64, 128], strides = [1, 1]} : vector<128x128xf32> to vector<64x128xf32>
    %reshape3A_117 = vector.shape_cast %slice3A_116 : vector<64x128xf32> to vector<8x8x128xf32>
    %swap3A_118 = arith.constant 10 : index
    %swap3A_119 = arith.constant 0 : index
    %swap3A_120 = arith.constant 0 : index
    %swap3A_121 = arith.constant 0 : index
    %swap3A_122 = arith.constant 0 : index
    %swap3A_123 = vector.load %arg2[%swap3A_118, %swap3A_119, %swap3A_120, %swap3A_121, %swap3A_122] : memref<50x8x1x8x128xf32, #tpu.memory_space<vmem>>, vector<1x8x1x8x128xf32>
    %swap3A_124 = vector.shape_cast %swap3A_123 : vector<1x8x1x8x128xf32> to vector<8x8x128xf32>
    %swap3A_125 = vector.shape_cast %reshape3A_117 : vector<8x8x128xf32> to vector<1x8x1x8x128xf32>
    tpu.vector_store %arg2[%swap3A_118, %swap3A_119, %swap3A_120, %swap3A_121, %swap3A_122], %swap3A_125 {strides = array<i32>} : memref<50x8x1x8x128xf32, #tpu.memory_space<vmem>>, vector<1x8x1x8x128xf32>,
    %slice3A_126 = vector.extract_strided_slice %transpose3A_115 {offsets = [64, 0], sizes = [64, 128], strides = [1, 1]} : vector<128x128xf32> to vector<64x128xf32>
    %reshape3A_127 = vector.shape_cast %slice3A_126 : vector<64x128xf32> to vector<8x8x128xf32>
    %swap3A_128 = arith.constant 11 : index
    %swap3A_129 = arith.constant 0 : index
    %swap3A_130 = arith.constant 0 : index
    %swap3A_131 = arith.constant 0 : index
    %swap3A_132 = arith.constant 0 : index
    %swap3A_133 = vector.load %arg2[%swap3A_128, %swap3A_129, %swap3A_130, %swap3A_131, %swap3A_132] : memref<50x8x1x8x128xf32, #tpu.memory_space<vmem>>, vector<1x8x1x8x128xf32>
    %swap3A_134 = vector.shape_cast %swap3A_133 : vector<1x8x1x8x128xf32> to vector<8x8x128xf32>
    %swap3A_135 = vector.shape_cast %reshape3A_127 : vector<8x8x128xf32> to vector<1x8x1x8x128xf32>
    tpu.vector_store %arg2[%swap3A_128, %swap3A_129, %swap3A_130, %swap3A_131, %swap3A_132], %swap3A_135 {strides = array<i32>} : memref<50x8x1x8x128xf32, #tpu.memory_space<vmem>>, vector<1x8x1x8x128xf32>,
    %slice3A_136 = vector.extract_strided_slice %reshape3A {offsets = [0, 6, 0], sizes = [128, 1, 128], strides = [1, 1, 1]} : vector<128x25x128xf32> to vector<128x1x128xf32>
    %squeeze3A_137 = vector.shape_cast %slice3A_136 : vector<128x1x128xf32> to vector<128x128xf32>
    %transpose3A_138 = tpu.transpose %squeeze3A_137, [1, 0] : vector<128x128xf32> -> vector<128x128xf32>
    %slice3A_139 = vector.extract_strided_slice %transpose3A_138 {offsets = [0, 0], sizes = [64, 128], strides = [1, 1]} : vector<128x128xf32> to vector<64x128xf32>
    %reshape3A_140 = vector.shape_cast %slice3A_139 : vector<64x128xf32> to vector<8x8x128xf32>
    %swap3A_141 = arith.constant 12 : index
    %swap3A_142 = arith.constant 0 : index
    %swap3A_143 = arith.constant 0 : index
    %swap3A_144 = arith.constant 0 : index
    %swap3A_145 = arith.constant 0 : index
    %swap3A_146 = vector.load %arg2[%swap3A_141, %swap3A_142, %swap3A_143, %swap3A_144, %swap3A_145] : memref<50x8x1x8x128xf32, #tpu.memory_space<vmem>>, vector<1x8x1x8x128xf32>
    %swap3A_147 = vector.shape_cast %swap3A_146 : vector<1x8x1x8x128xf32> to vector<8x8x128xf32>
    %swap3A_148 = vector.shape_cast %reshape3A_140 : vector<8x8x128xf32> to vector<1x8x1x8x128xf32>
    tpu.vector_store %arg2[%swap3A_141, %swap3A_142, %swap3A_143, %swap3A_144, %swap3A_145], %swap3A_148 {strides = array<i32>} : memref<50x8x1x8x128xf32, #tpu.memory_space<vmem>>, vector<1x8x1x8x128xf32>,
    %slice3A_149 = vector.extract_strided_slice %transpose3A_138 {offsets = [64, 0], sizes = [64, 128], strides = [1, 1]} : vector<128x128xf32> to vector<64x128xf32>
    %reshape3A_150 = vector.shape_cast %slice3A_149 : vector<64x128xf32> to vector<8x8x128xf32>
    %swap3A_151 = arith.constant 13 : index
    %swap3A_152 = arith.constant 0 : index
    %swap3A_153 = arith.constant 0 : index
    %swap3A_154 = arith.constant 0 : index
    %swap3A_155 = arith.constant 0 : index
    %swap3A_156 = vector.load %arg2[%swap3A_151, %swap3A_152, %swap3A_153, %swap3A_154, %swap3A_155] : memref<50x8x1x8x128xf32, #tpu.memory_space<vmem>>, vector<1x8x1x8x128xf32>
    %swap3A_157 = vector.shape_cast %swap3A_156 : vector<1x8x1x8x128xf32> to vector<8x8x128xf32>
    %swap3A_158 = vector.shape_cast %reshape3A_150 : vector<8x8x128xf32> to vector<1x8x1x8x128xf32>
    tpu.vector_store %arg2[%swap3A_151, %swap3A_152, %swap3A_153, %swap3A_154, %swap3A_155], %swap3A_158 {strides = array<i32>} : memref<50x8x1x8x128xf32, #tpu.memory_space<vmem>>, vector<1x8x1x8x128xf32>,
    %slice3A_159 = vector.extract_strided_slice %reshape3A {offsets = [0, 7, 0], sizes = [128, 1, 128], strides = [1, 1, 1]} : vector<128x25x128xf32> to vector<128x1x128xf32>
    %squeeze3A_160 = vector.shape_cast %slice3A_159 : vector<128x1x128xf32> to vector<128x128xf32>
    %transpose3A_161 = tpu.transpose %squeeze3A_160, [1, 0] : vector<128x128xf32> -> vector<128x128xf32>
    %slice3A_162 = vector.extract_strided_slice %transpose3A_161 {offsets = [0, 0], sizes = [64, 128], strides = [1, 1]} : vector<128x128xf32> to vector<64x128xf32>
    %reshape3A_163 = vector.shape_cast %slice3A_162 : vector<64x128xf32> to vector<8x8x128xf32>
    %swap3A_164 = arith.constant 14 : index
    %swap3A_165 = arith.constant 0 : index
    %swap3A_166 = arith.constant 0 : index
    %swap3A_167 = arith.constant 0 : index
    %swap3A_168 = arith.constant 0 : index
    %swap3A_169 = vector.load %arg2[%swap3A_164, %swap3A_165, %swap3A_166, %swap3A_167, %swap3A_168] : memref<50x8x1x8x128xf32, #tpu.memory_space<vmem>>, vector<1x8x1x8x128xf32>
    %swap3A_170 = vector.shape_cast %swap3A_169 : vector<1x8x1x8x128xf32> to vector<8x8x128xf32>
    %swap3A_171 = vector.shape_cast %reshape3A_163 : vector<8x8x128xf32> to vector<1x8x1x8x128xf32>
    tpu.vector_store %arg2[%swap3A_164, %swap3A_165, %swap3A_166, %swap3A_167, %swap3A_168], %swap3A_171 {strides = array<i32>} : memref<50x8x1x8x128xf32, #tpu.memory_space<vmem>>, vector<1x8x1x8x128xf32>,
    %slice3A_172 = vector.extract_strided_slice %transpose3A_161 {offsets = [64, 0], sizes = [64, 128], strides = [1, 1]} : vector<128x128xf32> to vector<64x128xf32>
    %reshape3A_173 = vector.shape_cast %slice3A_172 : vector<64x128xf32> to vector<8x8x128xf32>
    %swap3A_174 = arith.constant 15 : index
    %swap3A_175 = arith.constant 0 : index
    %swap3A_176 = arith.constant 0 : index
    %swap3A_177 = arith.constant 0 : index
    %swap3A_178 = arith.constant 0 : index
    %swap3A_179 = vector.load %arg2[%swap3A_174, %swap3A_175, %swap3A_176, %swap3A_177, %swap3A_178] : memref<50x8x1x8x128xf32, #tpu.memory_space<vmem>>, vector<1x8x1x8x128xf32>
    %swap3A_180 = vector.shape_cast %swap3A_179 : vector<1x8x1x8x128xf32> to vector<8x8x128xf32>
    %swap3A_181 = vector.shape_cast %reshape3A_173 : vector<8x8x128xf32> to vector<1x8x1x8x128xf32>
    tpu.vector_store %arg2[%swap3A_174, %swap3A_175, %swap3A_176, %swap3A_177, %swap3A_178], %swap3A_181 {strides = array<i32>} : memref<50x8x1x8x128xf32, #tpu.memory_space<vmem>>, vector<1x8x1x8x128xf32>,
    %slice3A_182 = vector.extract_strided_slice %reshape3A {offsets = [0, 8, 0], sizes = [128, 1, 128], strides = [1, 1, 1]} : vector<128x25x128xf32> to vector<128x1x128xf32>
    %squeeze3A_183 = vector.shape_cast %slice3A_182 : vector<128x1x128xf32> to vector<128x128xf32>
    %transpose3A_184 = tpu.transpose %squeeze3A_183, [1, 0] : vector<128x128xf32> -> vector<128x128xf32>
    %slice3A_185 = vector.extract_strided_slice %transpose3A_184 {offsets = [0, 0], sizes = [64, 128], strides = [1, 1]} : vector<128x128xf32> to vector<64x128xf32>
    %reshape3A_186 = vector.shape_cast %slice3A_185 : vector<64x128xf32> to vector<8x8x128xf32>
    %swap3A_187 = arith.constant 16 : index
    %swap3A_188 = arith.constant 0 : index
    %swap3A_189 = arith.constant 0 : index
    %swap3A_190 = arith.constant 0 : index
    %swap3A_191 = arith.constant 0 : index
    %swap3A_192 = vector.load %arg2[%swap3A_187, %swap3A_188, %swap3A_189, %swap3A_190, %swap3A_191] : memref<50x8x1x8x128xf32, #tpu.memory_space<vmem>>, vector<1x8x1x8x128xf32>
    %swap3A_193 = vector.shape_cast %swap3A_192 : vector<1x8x1x8x128xf32> to vector<8x8x128xf32>
    %swap3A_194 = vector.shape_cast %reshape3A_186 : vector<8x8x128xf32> to vector<1x8x1x8x128xf32>
    tpu.vector_store %arg2[%swap3A_187, %swap3A_188, %swap3A_189, %swap3A_190, %swap3A_191], %swap3A_194 {strides = array<i32>} : memref<50x8x1x8x128xf32, #tpu.memory_space<vmem>>, vector<1x8x1x8x128xf32>,
    %slice3A_195 = vector.extract_strided_slice %transpose3A_184 {offsets = [64, 0], sizes = [64, 128], strides = [1, 1]} : vector<128x128xf32> to vector<64x128xf32>
    %reshape3A_196 = vector.shape_cast %slice3A_195 : vector<64x128xf32> to vector<8x8x128xf32>
    %swap3A_197 = arith.constant 17 : index
    %swap3A_198 = arith.constant 0 : index
    %swap3A_199 = arith.constant 0 : index
    %swap3A_200 = arith.constant 0 : index
    %swap3A_201 = arith.constant 0 : index
    %swap3A_202 = vector.load %arg2[%swap3A_197, %swap3A_198, %swap3A_199, %swap3A_200, %swap3A_201] : memref<50x8x1x8x128xf32, #tpu.memory_space<vmem>>, vector<1x8x1x8x128xf32>
    %swap3A_203 = vector.shape_cast %swap3A_202 : vector<1x8x1x8x128xf32> to vector<8x8x128xf32>
    %swap3A_204 = vector.shape_cast %reshape3A_196 : vector<8x8x128xf32> to vector<1x8x1x8x128xf32>
    tpu.vector_store %arg2[%swap3A_197, %swap3A_198, %swap3A_199, %swap3A_200, %swap3A_201], %swap3A_204 {strides = array<i32>} : memref<50x8x1x8x128xf32, #tpu.memory_space<vmem>>, vector<1x8x1x8x128xf32>,
    %slice3A_205 = vector.extract_strided_slice %reshape3A {offsets = [0, 9, 0], sizes = [128, 1, 128], strides = [1, 1, 1]} : vector<128x25x128xf32> to vector<128x1x128xf32>
    %squeeze3A_206 = vector.shape_cast %slice3A_205 : vector<128x1x128xf32> to vector<128x128xf32>
    %transpose3A_207 = tpu.transpose %squeeze3A_206, [1, 0] : vector<128x128xf32> -> vector<128x128xf32>
    %slice3A_208 = vector.extract_strided_slice %transpose3A_207 {offsets = [0, 0], sizes = [64, 128], strides = [1, 1]} : vector<128x128xf32> to vector<64x128xf32>
    %reshape3A_209 = vector.shape_cast %slice3A_208 : vector<64x128xf32> to vector<8x8x128xf32>
    %swap3A_210 = arith.constant 18 : index
    %swap3A_211 = arith.constant 0 : index
    %swap3A_212 = arith.constant 0 : index
    %swap3A_213 = arith.constant 0 : index
    %swap3A_214 = arith.constant 0 : index
    %swap3A_215 = vector.load %arg2[%swap3A_210, %swap3A_211, %swap3A_212, %swap3A_213, %swap3A_214] : memref<50x8x1x8x128xf32, #tpu.memory_space<vmem>>, vector<1x8x1x8x128xf32>
    %swap3A_216 = vector.shape_cast %swap3A_215 : vector<1x8x1x8x128xf32> to vector<8x8x128xf32>
    %swap3A_217 = vector.shape_cast %reshape3A_209 : vector<8x8x128xf32> to vector<1x8x1x8x128xf32>
    tpu.vector_store %arg2[%swap3A_210, %swap3A_211, %swap3A_212, %swap3A_213, %swap3A_214], %swap3A_217 {strides = array<i32>} : memref<50x8x1x8x128xf32, #tpu.memory_space<vmem>>, vector<1x8x1x8x128xf32>,
    %slice3A_218 = vector.extract_strided_slice %transpose3A_207 {offsets = [64, 0], sizes = [64, 128], strides = [1, 1]} : vector<128x128xf32> to vector<64x128xf32>
    %reshape3A_219 = vector.shape_cast %slice3A_218 : vector<64x128xf32> to vector<8x8x128xf32>
    %swap3A_220 = arith.constant 19 : index
    %swap3A_221 = arith.constant 0 : index
    %swap3A_222 = arith.constant 0 : index
    %swap3A_223 = arith.constant 0 : index
    %swap3A_224 = arith.constant 0 : index
    %swap3A_225 = vector.load %arg2[%swap3A_220, %swap3A_221, %swap3A_222, %swap3A_223, %swap3A_224] : memref<50x8x1x8x128xf32, #tpu.memory_space<vmem>>, vector<1x8x1x8x128xf32>
    %swap3A_226 = vector.shape_cast %swap3A_225 : vector<1x8x1x8x128xf32> to vector<8x8x128xf32>
    %swap3A_227 = vector.shape_cast %reshape3A_219 : vector<8x8x128xf32> to vector<1x8x1x8x128xf32>
    tpu.vector_store %arg2[%swap3A_220, %swap3A_221, %swap3A_222, %swap3A_223, %swap3A_224], %swap3A_227 {strides = array<i32>} : memref<50x8x1x8x128xf32, #tpu.memory_space<vmem>>, vector<1x8x1x8x128xf32>,
    %slice3A_228 = vector.extract_strided_slice %reshape3A {offsets = [0, 10, 0], sizes = [128, 1, 128], strides = [1, 1, 1]} : vector<128x25x128xf32> to vector<128x1x128xf32>
    %squeeze3A_229 = vector.shape_cast %slice3A_228 : vector<128x1x128xf32> to vector<128x128xf32>
    %transpose3A_230 = tpu.transpose %squeeze3A_229, [1, 0] : vector<128x128xf32> -> vector<128x128xf32>
    %slice3A_231 = vector.extract_strided_slice %transpose3A_230 {offsets = [0, 0], sizes = [64, 128], strides = [1, 1]} : vector<128x128xf32> to vector<64x128xf32>
    %reshape3A_232 = vector.shape_cast %slice3A_231 : vector<64x128xf32> to vector<8x8x128xf32>
    %swap3A_233 = arith.constant 20 : index
    %swap3A_234 = arith.constant 0 : index
    %swap3A_235 = arith.constant 0 : index
    %swap3A_236 = arith.constant 0 : index
    %swap3A_237 = arith.constant 0 : index
    %swap3A_238 = vector.load %arg2[%swap3A_233, %swap3A_234, %swap3A_235, %swap3A_236, %swap3A_237] : memref<50x8x1x8x128xf32, #tpu.memory_space<vmem>>, vector<1x8x1x8x128xf32>
    %swap3A_239 = vector.shape_cast %swap3A_238 : vector<1x8x1x8x128xf32> to vector<8x8x128xf32>
    %swap3A_240 = vector.shape_cast %reshape3A_232 : vector<8x8x128xf32> to vector<1x8x1x8x128xf32>
    tpu.vector_store %arg2[%swap3A_233, %swap3A_234, %swap3A_235, %swap3A_236, %swap3A_237], %swap3A_240 {strides = array<i32>} : memref<50x8x1x8x128xf32, #tpu.memory_space<vmem>>, vector<1x8x1x8x128xf32>,
    %slice3A_241 = vector.extract_strided_slice %transpose3A_230 {offsets = [64, 0], sizes = [64, 128], strides = [1, 1]} : vector<128x128xf32> to vector<64x128xf32>
    %reshape3A_242 = vector.shape_cast %slice3A_241 : vector<64x128xf32> to vector<8x8x128xf32>
    %swap3A_243 = arith.constant 21 : index
    %swap3A_244 = arith.constant 0 : index
    %swap3A_245 = arith.constant 0 : index
    %swap3A_246 = arith.constant 0 : index
    %swap3A_247 = arith.constant 0 : index
    %swap3A_248 = vector.load %arg2[%swap3A_243, %swap3A_244, %swap3A_245, %swap3A_246, %swap3A_247] : memref<50x8x1x8x128xf32, #tpu.memory_space<vmem>>, vector<1x8x1x8x128xf32>
    %swap3A_249 = vector.shape_cast %swap3A_248 : vector<1x8x1x8x128xf32> to vector<8x8x128xf32>
    %swap3A_250 = vector.shape_cast %reshape3A_242 : vector<8x8x128xf32> to vector<1x8x1x8x128xf32>
    tpu.vector_store %arg2[%swap3A_243, %swap3A_244, %swap3A_245, %swap3A_246, %swap3A_247], %swap3A_250 {strides = array<i32>} : memref<50x8x1x8x128xf32, #tpu.memory_space<vmem>>, vector<1x8x1x8x128xf32>,
    %slice3A_251 = vector.extract_strided_slice %reshape3A {offsets = [0, 11, 0], sizes = [128, 1, 128], strides = [1, 1, 1]} : vector<128x25x128xf32> to vector<128x1x128xf32>
    %squeeze3A_252 = vector.shape_cast %slice3A_251 : vector<128x1x128xf32> to vector<128x128xf32>
    %transpose3A_253 = tpu.transpose %squeeze3A_252, [1, 0] : vector<128x128xf32> -> vector<128x128xf32>
    %slice3A_254 = vector.extract_strided_slice %transpose3A_253 {offsets = [0, 0], sizes = [64, 128], strides = [1, 1]} : vector<128x128xf32> to vector<64x128xf32>
    %reshape3A_255 = vector.shape_cast %slice3A_254 : vector<64x128xf32> to vector<8x8x128xf32>
    %swap3A_256 = arith.constant 22 : index
    %swap3A_257 = arith.constant 0 : index
    %swap3A_258 = arith.constant 0 : index
    %swap3A_259 = arith.constant 0 : index
    %swap3A_260 = arith.constant 0 : index
    %swap3A_261 = vector.load %arg2[%swap3A_256, %swap3A_257, %swap3A_258, %swap3A_259, %swap3A_260] : memref<50x8x1x8x128xf32, #tpu.memory_space<vmem>>, vector<1x8x1x8x128xf32>
    %swap3A_262 = vector.shape_cast %swap3A_261 : vector<1x8x1x8x128xf32> to vector<8x8x128xf32>
    %swap3A_263 = vector.shape_cast %reshape3A_255 : vector<8x8x128xf32> to vector<1x8x1x8x128xf32>
    tpu.vector_store %arg2[%swap3A_256, %swap3A_257, %swap3A_258, %swap3A_259, %swap3A_260], %swap3A_263 {strides = array<i32>} : memref<50x8x1x8x128xf32, #tpu.memory_space<vmem>>, vector<1x8x1x8x128xf32>,
    %slice3A_264 = vector.extract_strided_slice %transpose3A_253 {offsets = [64, 0], sizes = [64, 128], strides = [1, 1]} : vector<128x128xf32> to vector<64x128xf32>
    %reshape3A_265 = vector.shape_cast %slice3A_264 : vector<64x128xf32> to vector<8x8x128xf32>
    %swap3A_266 = arith.constant 23 : index
    %swap3A_267 = arith.constant 0 : index
    %swap3A_268 = arith.constant 0 : index
    %swap3A_269 = arith.constant 0 : index
    %swap3A_270 = arith.constant 0 : index
    %swap3A_271 = vector.load %arg2[%swap3A_266, %swap3A_267, %swap3A_268, %swap3A_269, %swap3A_270] : memref<50x8x1x8x128xf32, #tpu.memory_space<vmem>>, vector<1x8x1x8x128xf32>
    %swap3A_272 = vector.shape_cast %swap3A_271 : vector<1x8x1x8x128xf32> to vector<8x8x128xf32>
    %swap3A_273 = vector.shape_cast %reshape3A_265 : vector<8x8x128xf32> to vector<1x8x1x8x128xf32>
    tpu.vector_store %arg2[%swap3A_266, %swap3A_267, %swap3A_268, %swap3A_269, %swap3A_270], %swap3A_273 {strides = array<i32>} : memref<50x8x1x8x128xf32, #tpu.memory_space<vmem>>, vector<1x8x1x8x128xf32>,
    %slice3A_274 = vector.extract_strided_slice %reshape3A {offsets = [0, 12, 0], sizes = [128, 1, 128], strides = [1, 1, 1]} : vector<128x25x128xf32> to vector<128x1x128xf32>
    %squeeze3A_275 = vector.shape_cast %slice3A_274 : vector<128x1x128xf32> to vector<128x128xf32>
    %transpose3A_276 = tpu.transpose %squeeze3A_275, [1, 0] : vector<128x128xf32> -> vector<128x128xf32>
    %slice3A_277 = vector.extract_strided_slice %transpose3A_276 {offsets = [0, 0], sizes = [64, 128], strides = [1, 1]} : vector<128x128xf32> to vector<64x128xf32>
    %reshape3A_278 = vector.shape_cast %slice3A_277 : vector<64x128xf32> to vector<8x8x128xf32>
    %swap3A_279 = arith.constant 24 : index
    %swap3A_280 = arith.constant 0 : index
    %swap3A_281 = arith.constant 0 : index
    %swap3A_282 = arith.constant 0 : index
    %swap3A_283 = arith.constant 0 : index
    %swap3A_284 = vector.load %arg2[%swap3A_279, %swap3A_280, %swap3A_281, %swap3A_282, %swap3A_283] : memref<50x8x1x8x128xf32, #tpu.memory_space<vmem>>, vector<1x8x1x8x128xf32>
    %swap3A_285 = vector.shape_cast %swap3A_284 : vector<1x8x1x8x128xf32> to vector<8x8x128xf32>
    %swap3A_286 = vector.shape_cast %reshape3A_278 : vector<8x8x128xf32> to vector<1x8x1x8x128xf32>
    tpu.vector_store %arg2[%swap3A_279, %swap3A_280, %swap3A_281, %swap3A_282, %swap3A_283], %swap3A_286 {strides = array<i32>} : memref<50x8x1x8x128xf32, #tpu.memory_space<vmem>>, vector<1x8x1x8x128xf32>,
    %slice3A_287 = vector.extract_strided_slice %transpose3A_276 {offsets = [64, 0], sizes = [64, 128], strides = [1, 1]} : vector<128x128xf32> to vector<64x128xf32>
    %reshape3A_288 = vector.shape_cast %slice3A_287 : vector<64x128xf32> to vector<8x8x128xf32>
    %swap3A_289 = arith.constant 25 : index
    %swap3A_290 = arith.constant 0 : index
    %swap3A_291 = arith.constant 0 : index
    %swap3A_292 = arith.constant 0 : index
    %swap3A_293 = arith.constant 0 : index
    %swap3A_294 = vector.load %arg2[%swap3A_289, %swap3A_290, %swap3A_291, %swap3A_292, %swap3A_293] : memref<50x8x1x8x128xf32, #tpu.memory_space<vmem>>, vector<1x8x1x8x128xf32>
    %swap3A_295 = vector.shape_cast %swap3A_294 : vector<1x8x1x8x128xf32> to vector<8x8x128xf32>
    %swap3A_296 = vector.shape_cast %reshape3A_288 : vector<8x8x128xf32> to vector<1x8x1x8x128xf32>
    tpu.vector_store %arg2[%swap3A_289, %swap3A_290, %swap3A_291, %swap3A_292, %swap3A_293], %swap3A_296 {strides = array<i32>} : memref<50x8x1x8x128xf32, #tpu.memory_space<vmem>>, vector<1x8x1x8x128xf32>,
    %slice3A_297 = vector.extract_strided_slice %reshape3A {offsets = [0, 13, 0], sizes = [128, 1, 128], strides = [1, 1, 1]} : vector<128x25x128xf32> to vector<128x1x128xf32>
    %squeeze3A_298 = vector.shape_cast %slice3A_297 : vector<128x1x128xf32> to vector<128x128xf32>
    %transpose3A_299 = tpu.transpose %squeeze3A_298, [1, 0] : vector<128x128xf32> -> vector<128x128xf32>
    %slice3A_300 = vector.extract_strided_slice %transpose3A_299 {offsets = [0, 0], sizes = [64, 128], strides = [1, 1]} : vector<128x128xf32> to vector<64x128xf32>
    %reshape3A_301 = vector.shape_cast %slice3A_300 : vector<64x128xf32> to vector<8x8x128xf32>
    %swap3A_302 = arith.constant 26 : index
    %swap3A_303 = arith.constant 0 : index
    %swap3A_304 = arith.constant 0 : index
    %swap3A_305 = arith.constant 0 : index
    %swap3A_306 = arith.constant 0 : index
    %swap3A_307 = vector.load %arg2[%swap3A_302, %swap3A_303, %swap3A_304, %swap3A_305, %swap3A_306] : memref<50x8x1x8x128xf32, #tpu.memory_space<vmem>>, vector<1x8x1x8x128xf32>
    %swap3A_308 = vector.shape_cast %swap3A_307 : vector<1x8x1x8x128xf32> to vector<8x8x128xf32>
    %swap3A_309 = vector.shape_cast %reshape3A_301 : vector<8x8x128xf32> to vector<1x8x1x8x128xf32>
    tpu.vector_store %arg2[%swap3A_302, %swap3A_303, %swap3A_304, %swap3A_305, %swap3A_306], %swap3A_309 {strides = array<i32>} : memref<50x8x1x8x128xf32, #tpu.memory_space<vmem>>, vector<1x8x1x8x128xf32>,
    %slice3A_310 = vector.extract_strided_slice %transpose3A_299 {offsets = [64, 0], sizes = [64, 128], strides = [1, 1]} : vector<128x128xf32> to vector<64x128xf32>
    %reshape3A_311 = vector.shape_cast %slice3A_310 : vector<64x128xf32> to vector<8x8x128xf32>
    %swap3A_312 = arith.constant 27 : index
    %swap3A_313 = arith.constant 0 : index
    %swap3A_314 = arith.constant 0 : index
    %swap3A_315 = arith.constant 0 : index
    %swap3A_316 = arith.constant 0 : index
    %swap3A_317 = vector.load %arg2[%swap3A_312, %swap3A_313, %swap3A_314, %swap3A_315, %swap3A_316] : memref<50x8x1x8x128xf32, #tpu.memory_space<vmem>>, vector<1x8x1x8x128xf32>
    %swap3A_318 = vector.shape_cast %swap3A_317 : vector<1x8x1x8x128xf32> to vector<8x8x128xf32>
    %swap3A_319 = vector.shape_cast %reshape3A_311 : vector<8x8x128xf32> to vector<1x8x1x8x128xf32>
    tpu.vector_store %arg2[%swap3A_312, %swap3A_313, %swap3A_314, %swap3A_315, %swap3A_316], %swap3A_319 {strides = array<i32>} : memref<50x8x1x8x128xf32, #tpu.memory_space<vmem>>, vector<1x8x1x8x128xf32>,
    %slice3A_320 = vector.extract_strided_slice %reshape3A {offsets = [0, 14, 0], sizes = [128, 1, 128], strides = [1, 1, 1]} : vector<128x25x128xf32> to vector<128x1x128xf32>
    %squeeze3A_321 = vector.shape_cast %slice3A_320 : vector<128x1x128xf32> to vector<128x128xf32>
    %transpose3A_322 = tpu.transpose %squeeze3A_321, [1, 0] : vector<128x128xf32> -> vector<128x128xf32>
    %slice3A_323 = vector.extract_strided_slice %transpose3A_322 {offsets = [0, 0], sizes = [64, 128], strides = [1, 1]} : vector<128x128xf32> to vector<64x128xf32>
    %reshape3A_324 = vector.shape_cast %slice3A_323 : vector<64x128xf32> to vector<8x8x128xf32>
    %swap3A_325 = arith.constant 28 : index
    %swap3A_326 = arith.constant 0 : index
    %swap3A_327 = arith.constant 0 : index
    %swap3A_328 = arith.constant 0 : index
    %swap3A_329 = arith.constant 0 : index
    %swap3A_330 = vector.load %arg2[%swap3A_325, %swap3A_326, %swap3A_327, %swap3A_328, %swap3A_329] : memref<50x8x1x8x128xf32, #tpu.memory_space<vmem>>, vector<1x8x1x8x128xf32>
    %swap3A_331 = vector.shape_cast %swap3A_330 : vector<1x8x1x8x128xf32> to vector<8x8x128xf32>
    %swap3A_332 = vector.shape_cast %reshape3A_324 : vector<8x8x128xf32> to vector<1x8x1x8x128xf32>
    tpu.vector_store %arg2[%swap3A_325, %swap3A_326, %swap3A_327, %swap3A_328, %swap3A_329], %swap3A_332 {strides = array<i32>} : memref<50x8x1x8x128xf32, #tpu.memory_space<vmem>>, vector<1x8x1x8x128xf32>,
    %slice3A_333 = vector.extract_strided_slice %transpose3A_322 {offsets = [64, 0], sizes = [64, 128], strides = [1, 1]} : vector<128x128xf32> to vector<64x128xf32>
    %reshape3A_334 = vector.shape_cast %slice3A_333 : vector<64x128xf32> to vector<8x8x128xf32>
    %swap3A_335 = arith.constant 29 : index
    %swap3A_336 = arith.constant 0 : index
    %swap3A_337 = arith.constant 0 : index
    %swap3A_338 = arith.constant 0 : index
    %swap3A_339 = arith.constant 0 : index
    %swap3A_340 = vector.load %arg2[%swap3A_335, %swap3A_336, %swap3A_337, %swap3A_338, %swap3A_339] : memref<50x8x1x8x128xf32, #tpu.memory_space<vmem>>, vector<1x8x1x8x128xf32>
    %swap3A_341 = vector.shape_cast %swap3A_340 : vector<1x8x1x8x128xf32> to vector<8x8x128xf32>
    %swap3A_342 = vector.shape_cast %reshape3A_334 : vector<8x8x128xf32> to vector<1x8x1x8x128xf32>
    tpu.vector_store %arg2[%swap3A_335, %swap3A_336, %swap3A_337, %swap3A_338, %swap3A_339], %swap3A_342 {strides = array<i32>} : memref<50x8x1x8x128xf32, #tpu.memory_space<vmem>>, vector<1x8x1x8x128xf32>,
    %slice3A_343 = vector.extract_strided_slice %reshape3A {offsets = [0, 15, 0], sizes = [128, 1, 128], strides = [1, 1, 1]} : vector<128x25x128xf32> to vector<128x1x128xf32>
    %squeeze3A_344 = vector.shape_cast %slice3A_343 : vector<128x1x128xf32> to vector<128x128xf32>
    %transpose3A_345 = tpu.transpose %squeeze3A_344, [1, 0] : vector<128x128xf32> -> vector<128x128xf32>
    %slice3A_346 = vector.extract_strided_slice %transpose3A_345 {offsets = [0, 0], sizes = [64, 128], strides = [1, 1]} : vector<128x128xf32> to vector<64x128xf32>
    %reshape3A_347 = vector.shape_cast %slice3A_346 : vector<64x128xf32> to vector<8x8x128xf32>
    %swap3A_348 = arith.constant 30 : index
    %swap3A_349 = arith.constant 0 : index
    %swap3A_350 = arith.constant 0 : index
    %swap3A_351 = arith.constant 0 : index
    %swap3A_352 = arith.constant 0 : index
    %swap3A_353 = vector.load %arg2[%swap3A_348, %swap3A_349, %swap3A_350, %swap3A_351, %swap3A_352] : memref<50x8x1x8x128xf32, #tpu.memory_space<vmem>>, vector<1x8x1x8x128xf32>
    %swap3A_354 = vector.shape_cast %swap3A_353 : vector<1x8x1x8x128xf32> to vector<8x8x128xf32>
    %swap3A_355 = vector.shape_cast %reshape3A_347 : vector<8x8x128xf32> to vector<1x8x1x8x128xf32>
    tpu.vector_store %arg2[%swap3A_348, %swap3A_349, %swap3A_350, %swap3A_351, %swap3A_352], %swap3A_355 {strides = array<i32>} : memref<50x8x1x8x128xf32, #tpu.memory_space<vmem>>, vector<1x8x1x8x128xf32>,
    %slice3A_356 = vector.extract_strided_slice %transpose3A_345 {offsets = [64, 0], sizes = [64, 128], strides = [1, 1]} : vector<128x128xf32> to vector<64x128xf32>
    %reshape3A_357 = vector.shape_cast %slice3A_356 : vector<64x128xf32> to vector<8x8x128xf32>
    %swap3A_358 = arith.constant 31 : index
    %swap3A_359 = arith.constant 0 : index
    %swap3A_360 = arith.constant 0 : index
    %swap3A_361 = arith.constant 0 : index
    %swap3A_362 = arith.constant 0 : index
    %swap3A_363 = vector.load %arg2[%swap3A_358, %swap3A_359, %swap3A_360, %swap3A_361, %swap3A_362] : memref<50x8x1x8x128xf32, #tpu.memory_space<vmem>>, vector<1x8x1x8x128xf32>
    %swap3A_364 = vector.shape_cast %swap3A_363 : vector<1x8x1x8x128xf32> to vector<8x8x128xf32>
    %swap3A_365 = vector.shape_cast %reshape3A_357 : vector<8x8x128xf32> to vector<1x8x1x8x128xf32>
    tpu.vector_store %arg2[%swap3A_358, %swap3A_359, %swap3A_360, %swap3A_361, %swap3A_362], %swap3A_365 {strides = array<i32>} : memref<50x8x1x8x128xf32, #tpu.memory_space<vmem>>, vector<1x8x1x8x128xf32>,
    %slice3A_366 = vector.extract_strided_slice %reshape3A {offsets = [0, 16, 0], sizes = [128, 1, 128], strides = [1, 1, 1]} : vector<128x25x128xf32> to vector<128x1x128xf32>
    %squeeze3A_367 = vector.shape_cast %slice3A_366 : vector<128x1x128xf32> to vector<128x128xf32>
    %transpose3A_368 = tpu.transpose %squeeze3A_367, [1, 0] : vector<128x128xf32> -> vector<128x128xf32>
    %slice3A_369 = vector.extract_strided_slice %transpose3A_368 {offsets = [0, 0], sizes = [64, 128], strides = [1, 1]} : vector<128x128xf32> to vector<64x128xf32>
    %reshape3A_370 = vector.shape_cast %slice3A_369 : vector<64x128xf32> to vector<8x8x128xf32>
    %swap3A_371 = arith.constant 32 : index
    %swap3A_372 = arith.constant 0 : index
    %swap3A_373 = arith.constant 0 : index
    %swap3A_374 = arith.constant 0 : index
    %swap3A_375 = arith.constant 0 : index
    %swap3A_376 = vector.load %arg2[%swap3A_371, %swap3A_372, %swap3A_373, %swap3A_374, %swap3A_375] : memref<50x8x1x8x128xf32, #tpu.memory_space<vmem>>, vector<1x8x1x8x128xf32>
    %swap3A_377 = vector.shape_cast %swap3A_376 : vector<1x8x1x8x128xf32> to vector<8x8x128xf32>
    %swap3A_378 = vector.shape_cast %reshape3A_370 : vector<8x8x128xf32> to vector<1x8x1x8x128xf32>
    tpu.vector_store %arg2[%swap3A_371, %swap3A_372, %swap3A_373, %swap3A_374, %swap3A_375], %swap3A_378 {strides = array<i32>} : memref<50x8x1x8x128xf32, #tpu.memory_space<vmem>>, vector<1x8x1x8x128xf32>,
    %slice3A_379 = vector.extract_strided_slice %transpose3A_368 {offsets = [64, 0], sizes = [64, 128], strides = [1, 1]} : vector<128x128xf32> to vector<64x128xf32>
    %reshape3A_380 = vector.shape_cast %slice3A_379 : vector<64x128xf32> to vector<8x8x128xf32>
    %swap3A_381 = arith.constant 33 : index
    %swap3A_382 = arith.constant 0 : index
    %swap3A_383 = arith.constant 0 : index
    %swap3A_384 = arith.constant 0 : index
    %swap3A_385 = arith.constant 0 : index
    %swap3A_386 = vector.load %arg2[%swap3A_381, %swap3A_382, %swap3A_383, %swap3A_384, %swap3A_385] : memref<50x8x1x8x128xf32, #tpu.memory_space<vmem>>, vector<1x8x1x8x128xf32>
    %swap3A_387 = vector.shape_cast %swap3A_386 : vector<1x8x1x8x128xf32> to vector<8x8x128xf32>
    %swap3A_388 = vector.shape_cast %reshape3A_380 : vector<8x8x128xf32> to vector<1x8x1x8x128xf32>
    tpu.vector_store %arg2[%swap3A_381, %swap3A_382, %swap3A_383, %swap3A_384, %swap3A_385], %swap3A_388 {strides = array<i32>} : memref<50x8x1x8x128xf32, #tpu.memory_space<vmem>>, vector<1x8x1x8x128xf32>,
    %slice3A_389 = vector.extract_strided_slice %reshape3A {offsets = [0, 17, 0], sizes = [128, 1, 128], strides = [1, 1, 1]} : vector<128x25x128xf32> to vector<128x1x128xf32>
    %squeeze3A_390 = vector.shape_cast %slice3A_389 : vector<128x1x128xf32> to vector<128x128xf32>
    %transpose3A_391 = tpu.transpose %squeeze3A_390, [1, 0] : vector<128x128xf32> -> vector<128x128xf32>
    %slice3A_392 = vector.extract_strided_slice %transpose3A_391 {offsets = [0, 0], sizes = [64, 128], strides = [1, 1]} : vector<128x128xf32> to vector<64x128xf32>
    %reshape3A_393 = vector.shape_cast %slice3A_392 : vector<64x128xf32> to vector<8x8x128xf32>
    %swap3A_394 = arith.constant 34 : index
    %swap3A_395 = arith.constant 0 : index
    %swap3A_396 = arith.constant 0 : index
    %swap3A_397 = arith.constant 0 : index
    %swap3A_398 = arith.constant 0 : index
    %swap3A_399 = vector.load %arg2[%swap3A_394, %swap3A_395, %swap3A_396, %swap3A_397, %swap3A_398] : memref<50x8x1x8x128xf32, #tpu.memory_space<vmem>>, vector<1x8x1x8x128xf32>
    %swap3A_400 = vector.shape_cast %swap3A_399 : vector<1x8x1x8x128xf32> to vector<8x8x128xf32>
    %swap3A_401 = vector.shape_cast %reshape3A_393 : vector<8x8x128xf32> to vector<1x8x1x8x128xf32>
    tpu.vector_store %arg2[%swap3A_394, %swap3A_395, %swap3A_396, %swap3A_397, %swap3A_398], %swap3A_401 {strides = array<i32>} : memref<50x8x1x8x128xf32, #tpu.memory_space<vmem>>, vector<1x8x1x8x128xf32>,
    %slice3A_402 = vector.extract_strided_slice %transpose3A_391 {offsets = [64, 0], sizes = [64, 128], strides = [1, 1]} : vector<128x128xf32> to vector<64x128xf32>
    %reshape3A_403 = vector.shape_cast %slice3A_402 : vector<64x128xf32> to vector<8x8x128xf32>
    %swap3A_404 = arith.constant 35 : index
    %swap3A_405 = arith.constant 0 : index
    %swap3A_406 = arith.constant 0 : index
    %swap3A_407 = arith.constant 0 : index
    %swap3A_408 = arith.constant 0 : index
    %swap3A_409 = vector.load %arg2[%swap3A_404, %swap3A_405, %swap3A_406, %swap3A_407, %swap3A_408] : memref<50x8x1x8x128xf32, #tpu.memory_space<vmem>>, vector<1x8x1x8x128xf32>
    %swap3A_410 = vector.shape_cast %swap3A_409 : vector<1x8x1x8x128xf32> to vector<8x8x128xf32>
    %swap3A_411 = vector.shape_cast %reshape3A_403 : vector<8x8x128xf32> to vector<1x8x1x8x128xf32>
    tpu.vector_store %arg2[%swap3A_404, %swap3A_405, %swap3A_406, %swap3A_407, %swap3A_408], %swap3A_411 {strides = array<i32>} : memref<50x8x1x8x128xf32, #tpu.memory_space<vmem>>, vector<1x8x1x8x128xf32>,
    %slice3A_412 = vector.extract_strided_slice %reshape3A {offsets = [0, 18, 0], sizes = [128, 1, 128], strides = [1, 1, 1]} : vector<128x25x128xf32> to vector<128x1x128xf32>
    %squeeze3A_413 = vector.shape_cast %slice3A_412 : vector<128x1x128xf32> to vector<128x128xf32>
    %transpose3A_414 = tpu.transpose %squeeze3A_413, [1, 0] : vector<128x128xf32> -> vector<128x128xf32>
    %slice3A_415 = vector.extract_strided_slice %transpose3A_414 {offsets = [0, 0], sizes = [64, 128], strides = [1, 1]} : vector<128x128xf32> to vector<64x128xf32>
    %reshape3A_416 = vector.shape_cast %slice3A_415 : vector<64x128xf32> to vector<8x8x128xf32>
    %swap3A_417 = arith.constant 36 : index
    %swap3A_418 = arith.constant 0 : index
    %swap3A_419 = arith.constant 0 : index
    %swap3A_420 = arith.constant 0 : index
    %swap3A_421 = arith.constant 0 : index
    %swap3A_422 = vector.load %arg2[%swap3A_417, %swap3A_418, %swap3A_419, %swap3A_420, %swap3A_421] : memref<50x8x1x8x128xf32, #tpu.memory_space<vmem>>, vector<1x8x1x8x128xf32>
    %swap3A_423 = vector.shape_cast %swap3A_422 : vector<1x8x1x8x128xf32> to vector<8x8x128xf32>
    %swap3A_424 = vector.shape_cast %reshape3A_416 : vector<8x8x128xf32> to vector<1x8x1x8x128xf32>
    tpu.vector_store %arg2[%swap3A_417, %swap3A_418, %swap3A_419, %swap3A_420, %swap3A_421], %swap3A_424 {strides = array<i32>} : memref<50x8x1x8x128xf32, #tpu.memory_space<vmem>>, vector<1x8x1x8x128xf32>,
    %slice3A_425 = vector.extract_strided_slice %transpose3A_414 {offsets = [64, 0], sizes = [64, 128], strides = [1, 1]} : vector<128x128xf32> to vector<64x128xf32>
    %reshape3A_426 = vector.shape_cast %slice3A_425 : vector<64x128xf32> to vector<8x8x128xf32>
    %swap3A_427 = arith.constant 37 : index
    %swap3A_428 = arith.constant 0 : index
    %swap3A_429 = arith.constant 0 : index
    %swap3A_430 = arith.constant 0 : index
    %swap3A_431 = arith.constant 0 : index
    %swap3A_432 = vector.load %arg2[%swap3A_427, %swap3A_428, %swap3A_429, %swap3A_430, %swap3A_431] : memref<50x8x1x8x128xf32, #tpu.memory_space<vmem>>, vector<1x8x1x8x128xf32>
    %swap3A_433 = vector.shape_cast %swap3A_432 : vector<1x8x1x8x128xf32> to vector<8x8x128xf32>
    %swap3A_434 = vector.shape_cast %reshape3A_426 : vector<8x8x128xf32> to vector<1x8x1x8x128xf32>
    tpu.vector_store %arg2[%swap3A_427, %swap3A_428, %swap3A_429, %swap3A_430, %swap3A_431], %swap3A_434 {strides = array<i32>} : memref<50x8x1x8x128xf32, #tpu.memory_space<vmem>>, vector<1x8x1x8x128xf32>,
    %slice3A_435 = vector.extract_strided_slice %reshape3A {offsets = [0, 19, 0], sizes = [128, 1, 128], strides = [1, 1, 1]} : vector<128x25x128xf32> to vector<128x1x128xf32>
    %squeeze3A_436 = vector.shape_cast %slice3A_435 : vector<128x1x128xf32> to vector<128x128xf32>
    %transpose3A_437 = tpu.transpose %squeeze3A_436, [1, 0] : vector<128x128xf32> -> vector<128x128xf32>
    %slice3A_438 = vector.extract_strided_slice %transpose3A_437 {offsets = [0, 0], sizes = [64, 128], strides = [1, 1]} : vector<128x128xf32> to vector<64x128xf32>
    %reshape3A_439 = vector.shape_cast %slice3A_438 : vector<64x128xf32> to vector<8x8x128xf32>
    %swap3A_440 = arith.constant 38 : index
    %swap3A_441 = arith.constant 0 : index
    %swap3A_442 = arith.constant 0 : index
    %swap3A_443 = arith.constant 0 : index
    %swap3A_444 = arith.constant 0 : index
    %swap3A_445 = vector.load %arg2[%swap3A_440, %swap3A_441, %swap3A_442, %swap3A_443, %swap3A_444] : memref<50x8x1x8x128xf32, #tpu.memory_space<vmem>>, vector<1x8x1x8x128xf32>
    %swap3A_446 = vector.shape_cast %swap3A_445 : vector<1x8x1x8x128xf32> to vector<8x8x128xf32>
    %swap3A_447 = vector.shape_cast %reshape3A_439 : vector<8x8x128xf32> to vector<1x8x1x8x128xf32>
    tpu.vector_store %arg2[%swap3A_440, %swap3A_441, %swap3A_442, %swap3A_443, %swap3A_444], %swap3A_447 {strides = array<i32>} : memref<50x8x1x8x128xf32, #tpu.memory_space<vmem>>, vector<1x8x1x8x128xf32>,
    %slice3A_448 = vector.extract_strided_slice %transpose3A_437 {offsets = [64, 0], sizes = [64, 128], strides = [1, 1]} : vector<128x128xf32> to vector<64x128xf32>
    %reshape3A_449 = vector.shape_cast %slice3A_448 : vector<64x128xf32> to vector<8x8x128xf32>
    %swap3A_450 = arith.constant 39 : index
    %swap3A_451 = arith.constant 0 : index
    %swap3A_452 = arith.constant 0 : index
    %swap3A_453 = arith.constant 0 : index
    %swap3A_454 = arith.constant 0 : index
    %swap3A_455 = vector.load %arg2[%swap3A_450, %swap3A_451, %swap3A_452, %swap3A_453, %swap3A_454] : memref<50x8x1x8x128xf32, #tpu.memory_space<vmem>>, vector<1x8x1x8x128xf32>
    %swap3A_456 = vector.shape_cast %swap3A_455 : vector<1x8x1x8x128xf32> to vector<8x8x128xf32>
    %swap3A_457 = vector.shape_cast %reshape3A_449 : vector<8x8x128xf32> to vector<1x8x1x8x128xf32>
    tpu.vector_store %arg2[%swap3A_450, %swap3A_451, %swap3A_452, %swap3A_453, %swap3A_454], %swap3A_457 {strides = array<i32>} : memref<50x8x1x8x128xf32, #tpu.memory_space<vmem>>, vector<1x8x1x8x128xf32>,
    %slice3A_458 = vector.extract_strided_slice %reshape3A {offsets = [0, 20, 0], sizes = [128, 1, 128], strides = [1, 1, 1]} : vector<128x25x128xf32> to vector<128x1x128xf32>
    %squeeze3A_459 = vector.shape_cast %slice3A_458 : vector<128x1x128xf32> to vector<128x128xf32>
    %transpose3A_460 = tpu.transpose %squeeze3A_459, [1, 0] : vector<128x128xf32> -> vector<128x128xf32>
    %slice3A_461 = vector.extract_strided_slice %transpose3A_460 {offsets = [0, 0], sizes = [64, 128], strides = [1, 1]} : vector<128x128xf32> to vector<64x128xf32>
    %reshape3A_462 = vector.shape_cast %slice3A_461 : vector<64x128xf32> to vector<8x8x128xf32>
    %swap3A_463 = arith.constant 40 : index
    %swap3A_464 = arith.constant 0 : index
    %swap3A_465 = arith.constant 0 : index
    %swap3A_466 = arith.constant 0 : index
    %swap3A_467 = arith.constant 0 : index
    %swap3A_468 = vector.load %arg2[%swap3A_463, %swap3A_464, %swap3A_465, %swap3A_466, %swap3A_467] : memref<50x8x1x8x128xf32, #tpu.memory_space<vmem>>, vector<1x8x1x8x128xf32>
    %swap3A_469 = vector.shape_cast %swap3A_468 : vector<1x8x1x8x128xf32> to vector<8x8x128xf32>
    %swap3A_470 = vector.shape_cast %reshape3A_462 : vector<8x8x128xf32> to vector<1x8x1x8x128xf32>
    tpu.vector_store %arg2[%swap3A_463, %swap3A_464, %swap3A_465, %swap3A_466, %swap3A_467], %swap3A_470 {strides = array<i32>} : memref<50x8x1x8x128xf32, #tpu.memory_space<vmem>>, vector<1x8x1x8x128xf32>,
    %slice3A_471 = vector.extract_strided_slice %transpose3A_460 {offsets = [64, 0], sizes = [64, 128], strides = [1, 1]} : vector<128x128xf32> to vector<64x128xf32>
    %reshape3A_472 = vector.shape_cast %slice3A_471 : vector<64x128xf32> to vector<8x8x128xf32>
    %swap3A_473 = arith.constant 41 : index
    %swap3A_474 = arith.constant 0 : index
    %swap3A_475 = arith.constant 0 : index
    %swap3A_476 = arith.constant 0 : index
    %swap3A_477 = arith.constant 0 : index
    %swap3A_478 = vector.load %arg2[%swap3A_473, %swap3A_474, %swap3A_475, %swap3A_476, %swap3A_477] : memref<50x8x1x8x128xf32, #tpu.memory_space<vmem>>, vector<1x8x1x8x128xf32>
    %swap3A_479 = vector.shape_cast %swap3A_478 : vector<1x8x1x8x128xf32> to vector<8x8x128xf32>
    %swap3A_480 = vector.shape_cast %reshape3A_472 : vector<8x8x128xf32> to vector<1x8x1x8x128xf32>
    tpu.vector_store %arg2[%swap3A_473, %swap3A_474, %swap3A_475, %swap3A_476, %swap3A_477], %swap3A_480 {strides = array<i32>} : memref<50x8x1x8x128xf32, #tpu.memory_space<vmem>>, vector<1x8x1x8x128xf32>,
    %slice3A_481 = vector.extract_strided_slice %reshape3A {offsets = [0, 21, 0], sizes = [128, 1, 128], strides = [1, 1, 1]} : vector<128x25x128xf32> to vector<128x1x128xf32>
    %squeeze3A_482 = vector.shape_cast %slice3A_481 : vector<128x1x128xf32> to vector<128x128xf32>
    %transpose3A_483 = tpu.transpose %squeeze3A_482, [1, 0] : vector<128x128xf32> -> vector<128x128xf32>
    %slice3A_484 = vector.extract_strided_slice %transpose3A_483 {offsets = [0, 0], sizes = [64, 128], strides = [1, 1]} : vector<128x128xf32> to vector<64x128xf32>
    %reshape3A_485 = vector.shape_cast %slice3A_484 : vector<64x128xf32> to vector<8x8x128xf32>
    %swap3A_486 = arith.constant 42 : index
    %swap3A_487 = arith.constant 0 : index
    %swap3A_488 = arith.constant 0 : index
    %swap3A_489 = arith.constant 0 : index
    %swap3A_490 = arith.constant 0 : index
    %swap3A_491 = vector.load %arg2[%swap3A_486, %swap3A_487, %swap3A_488, %swap3A_489, %swap3A_490] : memref<50x8x1x8x128xf32, #tpu.memory_space<vmem>>, vector<1x8x1x8x128xf32>
    %swap3A_492 = vector.shape_cast %swap3A_491 : vector<1x8x1x8x128xf32> to vector<8x8x128xf32>
    %swap3A_493 = vector.shape_cast %reshape3A_485 : vector<8x8x128xf32> to vector<1x8x1x8x128xf32>
    tpu.vector_store %arg2[%swap3A_486, %swap3A_487, %swap3A_488, %swap3A_489, %swap3A_490], %swap3A_493 {strides = array<i32>} : memref<50x8x1x8x128xf32, #tpu.memory_space<vmem>>, vector<1x8x1x8x128xf32>,
    %slice3A_494 = vector.extract_strided_slice %transpose3A_483 {offsets = [64, 0], sizes = [64, 128], strides = [1, 1]} : vector<128x128xf32> to vector<64x128xf32>
    %reshape3A_495 = vector.shape_cast %slice3A_494 : vector<64x128xf32> to vector<8x8x128xf32>
    %swap3A_496 = arith.constant 43 : index
    %swap3A_497 = arith.constant 0 : index
    %swap3A_498 = arith.constant 0 : index
    %swap3A_499 = arith.constant 0 : index
    %swap3A_500 = arith.constant 0 : index
    %swap3A_501 = vector.load %arg2[%swap3A_496, %swap3A_497, %swap3A_498, %swap3A_499, %swap3A_500] : memref<50x8x1x8x128xf32, #tpu.memory_space<vmem>>, vector<1x8x1x8x128xf32>
    %swap3A_502 = vector.shape_cast %swap3A_501 : vector<1x8x1x8x128xf32> to vector<8x8x128xf32>
    %swap3A_503 = vector.shape_cast %reshape3A_495 : vector<8x8x128xf32> to vector<1x8x1x8x128xf32>
    tpu.vector_store %arg2[%swap3A_496, %swap3A_497, %swap3A_498, %swap3A_499, %swap3A_500], %swap3A_503 {strides = array<i32>} : memref<50x8x1x8x128xf32, #tpu.memory_space<vmem>>, vector<1x8x1x8x128xf32>,
    %slice3A_504 = vector.extract_strided_slice %reshape3A {offsets = [0, 22, 0], sizes = [128, 1, 128], strides = [1, 1, 1]} : vector<128x25x128xf32> to vector<128x1x128xf32>
    %squeeze3A_505 = vector.shape_cast %slice3A_504 : vector<128x1x128xf32> to vector<128x128xf32>
    %transpose3A_506 = tpu.transpose %squeeze3A_505, [1, 0] : vector<128x128xf32> -> vector<128x128xf32>
    %slice3A_507 = vector.extract_strided_slice %transpose3A_506 {offsets = [0, 0], sizes = [64, 128], strides = [1, 1]} : vector<128x128xf32> to vector<64x128xf32>
    %reshape3A_508 = vector.shape_cast %slice3A_507 : vector<64x128xf32> to vector<8x8x128xf32>
    %swap3A_509 = arith.constant 44 : index
    %swap3A_510 = arith.constant 0 : index
    %swap3A_511 = arith.constant 0 : index
    %swap3A_512 = arith.constant 0 : index
    %swap3A_513 = arith.constant 0 : index
    %swap3A_514 = vector.load %arg2[%swap3A_509, %swap3A_510, %swap3A_511, %swap3A_512, %swap3A_513] : memref<50x8x1x8x128xf32, #tpu.memory_space<vmem>>, vector<1x8x1x8x128xf32>
    %swap3A_515 = vector.shape_cast %swap3A_514 : vector<1x8x1x8x128xf32> to vector<8x8x128xf32>
    %swap3A_516 = vector.shape_cast %reshape3A_508 : vector<8x8x128xf32> to vector<1x8x1x8x128xf32>
    tpu.vector_store %arg2[%swap3A_509, %swap3A_510, %swap3A_511, %swap3A_512, %swap3A_513], %swap3A_516 {strides = array<i32>} : memref<50x8x1x8x128xf32, #tpu.memory_space<vmem>>, vector<1x8x1x8x128xf32>,
    %slice3A_517 = vector.extract_strided_slice %transpose3A_506 {offsets = [64, 0], sizes = [64, 128], strides = [1, 1]} : vector<128x128xf32> to vector<64x128xf32>
    %reshape3A_518 = vector.shape_cast %slice3A_517 : vector<64x128xf32> to vector<8x8x128xf32>
    %swap3A_519 = arith.constant 45 : index
    %swap3A_520 = arith.constant 0 : index
    %swap3A_521 = arith.constant 0 : index
    %swap3A_522 = arith.constant 0 : index
    %swap3A_523 = arith.constant 0 : index
    %swap3A_524 = vector.load %arg2[%swap3A_519, %swap3A_520, %swap3A_521, %swap3A_522, %swap3A_523] : memref<50x8x1x8x128xf32, #tpu.memory_space<vmem>>, vector<1x8x1x8x128xf32>
    %swap3A_525 = vector.shape_cast %swap3A_524 : vector<1x8x1x8x128xf32> to vector<8x8x128xf32>
    %swap3A_526 = vector.shape_cast %reshape3A_518 : vector<8x8x128xf32> to vector<1x8x1x8x128xf32>
    tpu.vector_store %arg2[%swap3A_519, %swap3A_520, %swap3A_521, %swap3A_522, %swap3A_523], %swap3A_526 {strides = array<i32>} : memref<50x8x1x8x128xf32, #tpu.memory_space<vmem>>, vector<1x8x1x8x128xf32>,
    %slice3A_527 = vector.extract_strided_slice %reshape3A {offsets = [0, 23, 0], sizes = [128, 1, 128], strides = [1, 1, 1]} : vector<128x25x128xf32> to vector<128x1x128xf32>
    %squeeze3A_528 = vector.shape_cast %slice3A_527 : vector<128x1x128xf32> to vector<128x128xf32>
    %transpose3A_529 = tpu.transpose %squeeze3A_528, [1, 0] : vector<128x128xf32> -> vector<128x128xf32>
    %slice3A_530 = vector.extract_strided_slice %transpose3A_529 {offsets = [0, 0], sizes = [64, 128], strides = [1, 1]} : vector<128x128xf32> to vector<64x128xf32>
    %reshape3A_531 = vector.shape_cast %slice3A_530 : vector<64x128xf32> to vector<8x8x128xf32>
    %swap3A_532 = arith.constant 46 : index
    %swap3A_533 = arith.constant 0 : index
    %swap3A_534 = arith.constant 0 : index
    %swap3A_535 = arith.constant 0 : index
    %swap3A_536 = arith.constant 0 : index
    %swap3A_537 = vector.load %arg2[%swap3A_532, %swap3A_533, %swap3A_534, %swap3A_535, %swap3A_536] : memref<50x8x1x8x128xf32, #tpu.memory_space<vmem>>, vector<1x8x1x8x128xf32>
    %swap3A_538 = vector.shape_cast %swap3A_537 : vector<1x8x1x8x128xf32> to vector<8x8x128xf32>
    %swap3A_539 = vector.shape_cast %reshape3A_531 : vector<8x8x128xf32> to vector<1x8x1x8x128xf32>
    tpu.vector_store %arg2[%swap3A_532, %swap3A_533, %swap3A_534, %swap3A_535, %swap3A_536], %swap3A_539 {strides = array<i32>} : memref<50x8x1x8x128xf32, #tpu.memory_space<vmem>>, vector<1x8x1x8x128xf32>,
    %slice3A_540 = vector.extract_strided_slice %transpose3A_529 {offsets = [64, 0], sizes = [64, 128], strides = [1, 1]} : vector<128x128xf32> to vector<64x128xf32>
    %reshape3A_541 = vector.shape_cast %slice3A_540 : vector<64x128xf32> to vector<8x8x128xf32>
    %swap3A_542 = arith.constant 47 : index
    %swap3A_543 = arith.constant 0 : index
    %swap3A_544 = arith.constant 0 : index
    %swap3A_545 = arith.constant 0 : index
    %swap3A_546 = arith.constant 0 : index
    %swap3A_547 = vector.load %arg2[%swap3A_542, %swap3A_543, %swap3A_544, %swap3A_545, %swap3A_546] : memref<50x8x1x8x128xf32, #tpu.memory_space<vmem>>, vector<1x8x1x8x128xf32>
    %swap3A_548 = vector.shape_cast %swap3A_547 : vector<1x8x1x8x128xf32> to vector<8x8x128xf32>
    %swap3A_549 = vector.shape_cast %reshape3A_541 : vector<8x8x128xf32> to vector<1x8x1x8x128xf32>
    tpu.vector_store %arg2[%swap3A_542, %swap3A_543, %swap3A_544, %swap3A_545, %swap3A_546], %swap3A_549 {strides = array<i32>} : memref<50x8x1x8x128xf32, #tpu.memory_space<vmem>>, vector<1x8x1x8x128xf32>,
    %slice3A_550 = vector.extract_strided_slice %reshape3A {offsets = [0, 24, 0], sizes = [128, 1, 128], strides = [1, 1, 1]} : vector<128x25x128xf32> to vector<128x1x128xf32>
    %squeeze3A_551 = vector.shape_cast %slice3A_550 : vector<128x1x128xf32> to vector<128x128xf32>
    %transpose3A_552 = tpu.transpose %squeeze3A_551, [1, 0] : vector<128x128xf32> -> vector<128x128xf32>
    %slice3A_553 = vector.extract_strided_slice %transpose3A_552 {offsets = [0, 0], sizes = [64, 128], strides = [1, 1]} : vector<128x128xf32> to vector<64x128xf32>
    %reshape3A_554 = vector.shape_cast %slice3A_553 : vector<64x128xf32> to vector<8x8x128xf32>
    %swap3A_555 = arith.constant 48 : index
    %swap3A_556 = arith.constant 0 : index
    %swap3A_557 = arith.constant 0 : index
    %swap3A_558 = arith.constant 0 : index
    %swap3A_559 = arith.constant 0 : index
    %swap3A_560 = vector.load %arg2[%swap3A_555, %swap3A_556, %swap3A_557, %swap3A_558, %swap3A_559] : memref<50x8x1x8x128xf32, #tpu.memory_space<vmem>>, vector<1x8x1x8x128xf32>
    %swap3A_561 = vector.shape_cast %swap3A_560 : vector<1x8x1x8x128xf32> to vector<8x8x128xf32>
    %swap3A_562 = vector.shape_cast %reshape3A_554 : vector<8x8x128xf32> to vector<1x8x1x8x128xf32>
    tpu.vector_store %arg2[%swap3A_555, %swap3A_556, %swap3A_557, %swap3A_558, %swap3A_559], %swap3A_562 {strides = array<i32>} : memref<50x8x1x8x128xf32, #tpu.memory_space<vmem>>, vector<1x8x1x8x128xf32>,
    %slice3A_563 = vector.extract_strided_slice %transpose3A_552 {offsets = [64, 0], sizes = [64, 128], strides = [1, 1]} : vector<128x128xf32> to vector<64x128xf32>
    %reshape3A_564 = vector.shape_cast %slice3A_563 : vector<64x128xf32> to vector<8x8x128xf32>
    %swap3A_565 = arith.constant 49 : index
    %swap3A_566 = arith.constant 0 : index
    %swap3A_567 = arith.constant 0 : index
    %swap3A_568 = arith.constant 0 : index
    %swap3A_569 = arith.constant 0 : index
    %swap3A_570 = vector.load %arg2[%swap3A_565, %swap3A_566, %swap3A_567, %swap3A_568, %swap3A_569] : memref<50x8x1x8x128xf32, #tpu.memory_space<vmem>>, vector<1x8x1x8x128xf32>
    %swap3A_571 = vector.shape_cast %swap3A_570 : vector<1x8x1x8x128xf32> to vector<8x8x128xf32>
    %swap3A_572 = vector.shape_cast %reshape3A_564 : vector<8x8x128xf32> to vector<1x8x1x8x128xf32>
    tpu.vector_store %arg2[%swap3A_565, %swap3A_566, %swap3A_567, %swap3A_568, %swap3A_569], %swap3A_572 {strides = array<i32>} : memref<50x8x1x8x128xf32, #tpu.memory_space<vmem>>, vector<1x8x1x8x128xf32>,
    return
  }
  func.func @transform_0(%arg0: i32) -> (i32, i32) {
    %c0_i32 = arith.constant 0 : i32
    %c0_i32_0 = arith.constant 0 : i32
    return %arg0, %c0_i32 : i32, i32
  }
  func.func @transform_1(%arg0: i32) -> (i32, i32, i32, i32, i32) {
    %c0_i32 = arith.constant 0 : i32
    %c0_i32_0 = arith.constant 0 : i32
    %c0_i32_1 = arith.constant 0 : i32
    %c0_i32_2 = arith.constant 0 : i32
    %c0_i32_3 = arith.constant 0 : i32
    return %c0_i32, %c0_i32_0, %arg0, %c0_i32_1, %c0_i32_2 : i32, i32, i32, i32, i32
  }
}

</mosaic_0001>

<sc_bundles>
// kernel: kernel.5.cloned.1.call-start
scs
__scs_entry_jumppad:
0x0: {  	(pc) =	sbr.rel $0x88, $3  }
0x1: {  	(tag) =	ssettag $0x0;
	lr =	simm.s32 $0x1  }
0x2: {  	[smem:$0x3F9F] =	sst lr;
	_ =	strace $0xD0000000  }
0x3: {  	_ = 	snop  }
0x4: {  	_ = 	snop  }
0x5: {  	_ = 	snop  }
0x6: {  	_ = 	snop  }
0x7: {  	_ = 	snop  }
__scs_overlays_trampoline_lowered:
0x8: {  	[smem:$0x3FAE] =	sst s0  }
0x9: {  	[smem:$0x3FAF] =	sst s1  }
0xa: {  	[smem:$0x3FB0] =	sst s2  }
0xb: {  	[smem:$0x3FB1] =	sst s3  }
0xc: {  	[smem:$0x3FB2] =	sst s4  }
0xd: {  	[smem:$0x3FB3] =	sst s5  }
0xe: {  	[smem:$0x3FB4] =	sst s6  }
0xf: {  	[smem:$0x3FB5] =	sst s7  }
0x10: {  	[smem:$0x3FB6] =	sst s8  }
0x11: {  	[smem:$0x3FB7] =	sst s9;
	s0 =	simm.s32 @!p0 $0x0  }
0x12: {  	s1 =	sld [smem:$0x3F9D];
	s0 =	simm.s32 @p0 $0x1  }
0x13: {  	[smem:$0x3FB8] =	sst s0;
	s0 =	simm.s32 @!p1 $0x0  }
0x14: {  	s2 =	sld [smem:$0x3F9C];
	s0 =	simm.s32 @p1 $0x1  }
0x15: {  	[smem:$0x3FB9] =	sst s0;
	s0 =	simm.s32 @!p2 $0x0  }
0x16: {  	s3 =	sld [smem:$0x3FDB];
	s0 =	simm.s32 @p2 $0x1  }
0x17: {  	s4 =	simm.s32 $0x1BF5;
	[smem:$0x3FBB] =	sst s0  }
0x18: {  	s0 =	sld [smem:$0x3F9E];
	_ =	swait.ge [sflag:s4], $0x0  }
0x19: {  	s7 =	sld [smem:$0x3F9F]  }
0x1a: {  	s8 =	sadd.s32 $0xFFFFE003, lr  }
0x1b: {  	s9 =	sadd.s32 $0xFFFFFEF7, lr;
	s5 =	simm.s32 $0xFFFFFFFF;
	p2 =	slt.u32 s8, $0xFFFFF086  }
0x1c: {  	p1 =	slt.u32 s9, $0xF7A;
	s5 =	simm.s32 @!p2 $0x0  }
0x1d: {  	s5 =	simm.s32 @p1 $0x1;
	p0 =	seq.s32 s7, s2  }
0x1e: {  	s7 =	smul.u32 @!p0 $0xF7A, s2;
	p2 =	seq.s32 @!p0 s5, $0x0  }
0x1f: {  	s9 =	smul.u32 $0xF7A, s1;
	s8 =	simm.s32 @!p0 $0x1BF5;
	p2 =	por !p2, p0  }
0x20: {  	[sflag:s8] =	ssyncset.s32 @!p0 $0xFFFFF086;
	s6 =	sadd.s32 @!p0 s3, s7;
	s7 =	simm.s32 @!p0 $0x108  }
0x21: {  	s3 =	sadd.s32 s3, s9;
	s6 =	sadd.s32 @!p0 $0x88, s6;
	s7 =	simm.s32 @p2 $0x1082  }
0x22: {  	[simem:s7], [sflag:s8] =	dma.local @!p0 [hbm:s6], $0xF7A  }
0x23: {  	s9 =	sor.u32 $0xD0000000, s2;
	s6 =	simm.s32 $0x108;
	_ =	swait.ge @!p0 [sflag:s8], $0x0  }
0x24: {  	s3 =	sadd.s32 $0x88, s3;
	s6 =	simm.s32 @!p1 $0x1082;
	[sflag:s4] =	ssyncset.s32 $0xFFFFF086  }
0x25: {  	[simem:s6], [sflag:s4] =	dma.local [hbm:s3], $0xF7A  }
0x26: {  	[smem:$0x3F9F] =	sst s1;
	(tag) =	ssettag s2;
	_ =	strace s9  }
0x27: {  	s1 =	sld [smem:$0x3FAF]  }
0x28: {  	s2 =	sld [smem:$0x3FB0]  }
0x29: {  	s4 =	sld [smem:$0x3FB2]  }
0x2a: {  	p0 =	seq.s32 s5, $0x0;
	s5 =	sld [smem:$0x3FB3]  }
0x2b: {  	s6 =	sld [smem:$0x3FB4]  }
0x2c: {  	s7 =	sld [smem:$0x3FB5]  }
0x2d: {  	s3 =	simm.s32 $0x108;
	s8 =	sld [smem:$0x3FB6]  }
0x2e: {  	s3 =	simm.s32 @!p0 $0x1082;
	s9 =	sld [smem:$0x3FB7]  }
0x2f: {  	lr =	sadd.s32 s0, s3;
	s0 =	sld [smem:$0x3FAE]  }
0x30: {  	s3 =	sld [smem:$0x3FB1]  }
0x31: {  	[smem:$0x3FBA] =	sst s10  }
0x32: {  	s10 =	sld [smem:$0x3FB8];
	_ =	sdelay $0x3  }
0x33: {  	p0 =	seq.s32 s10, $0x1;
	s10 =	sld [smem:$0x3FBA];
	_ =	sdelay $0x3  }
0x34: {  	[smem:$0x3FBA] =	sst s10  }
0x35: {  	s10 =	sld [smem:$0x3FB9];
	_ =	sdelay $0x3  }
0x36: {  	p1 =	seq.s32 s10, $0x1;
	s10 =	sld [smem:$0x3FBA];
	_ =	sdelay $0x3  }
0x37: {  	[smem:$0x3FBA] =	sst s10  }
0x38: {  	s10 =	sld [smem:$0x3FBB]  }
0x39: {  	_ = 	snop;
	(pc) =	sbr.ind lr, $3  }
0x3a: {  	_ = 	snop  }
0x3b: {  	_ = 	snop  }
0x3c: {  	p2 =	seq.s32 s10, $0x1;
	s10 =	sld [smem:$0x3FBA]  }
0x3d: {  	_ =	shalt  }
0x3e: {  	_ =	shalt  }
0x3f: {  	_ =	shalt  }
0x40: {  	_ =	shalt  }
0x41: {  	_ =	shalt  }
0x42: {  	_ =	shalt  }
0x43: {  	_ =	shalt  }
0x44: {  	_ =	shalt  }
0x45: {  	_ =	shalt  }
0x46: {  	_ =	shalt  }
0x47: {  	_ =	shalt  }
0x48: {  	_ =	shalt  }
0x49: {  	_ =	shalt  }
0x4a: {  	_ =	shalt  }
0x4b: {  	_ =	shalt  }
0x4c: {  	_ =	shalt  }
0x4d: {  	_ =	shalt  }
0x4e: {  	_ =	shalt  }
0x4f: {  	_ =	shalt  }
0x50: {  	_ =	shalt  }
0x51: {  	_ =	shalt  }
0x52: {  	_ =	shalt  }
0x53: {  	_ =	shalt  }
0x54: {  	_ =	shalt  }
0x55: {  	_ =	shalt  }
0x56: {  	_ =	shalt  }
0x57: {  	_ =	shalt  }
0x58: {  	_ =	shalt  }
0x59: {  	_ =	shalt  }
0x5a: {  	_ =	shalt  }
0x5b: {  	_ =	shalt  }
0x5c: {  	_ =	shalt  }
0x5d: {  	_ =	shalt  }
0x5e: {  	_ =	shalt  }
0x5f: {  	_ =	shalt  }
0x60: {  	_ =	shalt  }
0x61: {  	_ =	shalt  }
0x62: {  	_ =	shalt  }
0x63: {  	_ =	shalt  }
0x64: {  	_ =	shalt  }
0x65: {  	_ =	shalt  }
0x66: {  	_ =	shalt  }
0x67: {  	_ =	shalt  }
0x68: {  	_ =	shalt  }
0x69: {  	_ =	shalt  }
0x6a: {  	_ =	shalt  }
0x6b: {  	_ =	shalt  }
0x6c: {  	_ =	shalt  }
0x6d: {  	_ =	shalt  }
0x6e: {  	_ =	shalt  }
0x6f: {  	_ =	shalt  }
0x70: {  	_ =	shalt  }
0x71: {  	_ =	shalt  }
0x72: {  	_ =	shalt  }
0x73: {  	_ =	shalt  }
0x74: {  	_ =	shalt  }
0x75: {  	_ =	shalt  }
0x76: {  	_ =	shalt  }
0x77: {  	_ =	shalt  }
0x78: {  	_ =	shalt  }
0x79: {  	_ =	shalt  }
0x7a: {  	_ =	shalt  }
0x7b: {  	_ =	shalt  }
0x7c: {  	_ =	shalt  }
0x7d: {  	_ =	shalt  }
0x7e: {  	_ =	shalt  }
0x7f: {  	_ =	shalt  }
0x80: {  	_ =	shalt  }
0x81: {  	_ =	shalt  }
0x82: {  	_ =	shalt  }
0x83: {  	_ =	shalt  }
0x84: {  	_ =	shalt  }
0x85: {  	_ =	shalt  }
0x86: {  	_ =	shalt  }
0x87: {  	_ =	shalt  }
.Lfunc_end0:
.L_simem_size_0:
called_computation_lowered:
.L_overlay_start_0:
0x88: {  	s2 =	sld [smem:$0x3FD9]  }
0x89: {  	s3 =	sld [smem:$0x3FFE];
	_ =	sdelay $0x1  }
0x8a: {  	s1 =	srdreg.scid  }
0x8b: {  	s0 =	sand.u32 $0x1, s1  }
0x8c: {  	s17 =	sshll.u32 s0, $0xA;
	s2 =	sadd.s32 s3, s2  }
0x8d: {  	s2 =	sadd.s32 s2, s17  }
0x8e: {  	[smem:$0x3FC6] =	sst s2  }
0x8f: {  	_ = 	snop  }
0x90: {  	s2 =	sld [smem:$0x3FD0];
	(tm) =	ssettm $0x1  }
0x91: {  	s18 =	sld [smem:$0x3FFB];
	_ =	sdelay $0x3  }
0x92: {  	_ =	strace s18  }
0x93: {  	s3 =	sld [smem:$0x3FFC];
	_ =	sdelay $0x3  }
0x94: {  	_ =	strace s3  }
0x95: {  	s3 =	sld [smem:$0x3FFD];
	_ =	sdelay $0x3  }
0x96: {  	_ =	strace s3  }
0x97: {  	_ =	strace $0x8FFFFFFF  }
0x98: {  	s19 =	sld [smem:$0x3FDB];
	_ =	sdelay $0x1  }
0x99: {  	s4 =	simm.s32 $_scs_section_size  }
0x9a: {  	s5 =	simm.s32 $_size__tile_overlayer_lowered;
	s6 =	simm.s32 $_tile_overlayer_lowered  }
0x9b: {  	s22 =	simm.s32 $0x1BFF;
	s21 =	sshll.u32 s6, $0x1;
	s3 =	sadd.s32 s4, s19  }
0x9c: {  	s7 =	simm.s32 $0x0;
	s20 =	sshll.u32 s5, $0x1;
	s5 =	sadd.s32 s21, s3  }
0x9d: {  	[timem:s7], [sflag:s22] =	dma.local [hbm:s5], s20  }
0x9e: {  	_ =	swait.ge [sflag:s22], s20  }
0x9f: {  	s4 =	ssub.s32 $0x0, s20;
	[sflag:s22] =	ssyncset.done $0x0  }
0xa0: {  	[sflag:s22] =	ssyncadd.s32 s4;
	_ =	sdelay $0x1  }
0xa1: {  	s23 =	simm.s32 $0x1B8B  }
0xa2: {  	_ =	swait.ge [sflag:s23], $0x1  }
0xa3: {  	[sflag:s23] =	ssyncset.done $0x0  }
0xa4: {  	s25 =	simm.s32 $0x1B8E;
	s24 =	sld [smem:$0x3FFE];
	[sflag:s23] =	ssyncadd.s32 $0xFFFFFFFF  }
0xa5: {  	s26 =	simm.s32 $execute0_lowered;
	[smem:$0x3FD2] =	sst s25  }
0xa6: {  	s5 =	sshll.u32 s26, $0x1;
	_ =	strace $0x80000046;
	[dreg:$0x1] =	wrdreg $0xFFFFFFFF  }
0xa7: {  	s28 =	simm.s32 $_size_execute0_lowered;
	s3 =	sadd.s32 s3, s5;
	[dreg:$0x0] =	wrdreg $0x0  }
0xa8: {  	s5 =	sshll.u32 s28, $0x1;
	[dreg:$0x2] =	wrdreg s3  }
0xa9: {  	[dreg:$0x3] =	wrdreg s5  }
0xaa: {  	[dreg:$0x4] =	wrdreg $0xC0  }
0xab: {  	_ =	task [dreg:s7], $0x5FFFF  }
0xac: {  	[dreg:$0x1] =	wrdreg $0xFFFFFFFF  }
0xad: {  	[dreg:$0x0] =	wrdreg $0x60  }
0xae: {  	[dreg:$0x2] =	wrdreg s24  }
0xaf: {  	[dreg:$0x3] =	wrdreg s2  }
0xb0: {  	[dreg:$0x4] =	wrdreg $0x9  }
0xb1: {  	_ =	task.clear_ibuf [dreg:s7], $0x5FFFF;
	_ =	strace $0x90000046  }
0xb2: {  	s29 =	simm.s32 $0x9;
	_ =	strace $0x80000048  }
0xb3: {  	_ =	swait.ge [sflag:s29], $0x1  }
0xb4: {  	[sflag:s29] =	ssyncadd.s32 $0xFFFFFFFF  }
0xb5: {  	_ =	strace $0x90000048  }
0xb6: {  	_ =	sfence  }
0xb7: {  	s30 =	sld [smem:$0x0];
	_ =	sdelay $0x2  }
0xb8: {  	s31 =	sshll.u32 s1, $0xD;
	s1 =	sshrl.u32 s1, $0x2  }
0xb9: {  	s3 =	sand.u32 $0x4000, s31;
	s1 =	sadd.s32 s1, s30  }
0xba: {  	s0 =	sor.u32 s3, s0;
	s1 =	sshll.u32 s1, $0x11  }
0xbb: {  	s0 =	sor.u32 s1, s0  }
0xbc: {  	s0 =	sadd.s32 $0x8F2B, s0  }
0xbd: {  	[sflag:s0] =	ssyncadd.remote.s32 $0x1  }
0xbe: {  	_ =	sfence.sel $0xFFFF  }
0xbf: {  	[dreg:$0x0] =	wrdreg $0xFFFFFFFF;
	(pc) =	sbr.abs _section_cstart, $3  }
0xc0: {  	[dreg:$0x1] =	wrdreg $0xFFFFFFFF  }
0xc1: {  	_ =	task.clear_ibuf [dreg:s7], $0x2FFFF;
	_ =	strace $0x9FFFFFFF  }
0xc2: {  	(tm) =	ssettm $0x7FFFFFFF  }
0xc3: {  	_ =	shalt  }
tec
execute0_lowered:
.L_overlay_start_1:
0x0: {  	(tag) =	ssettag $0x1  }
0x1: {  	s0 =	rddreg [dreg:$0x0];
	s1 =	srdreg.scid  }
0x2: {  	s11 =	stileid.u32;
	s5 =	rddreg [dreg:$0x1];
	s2 =	simm.s32 $0x0  }
0x3: {  	s18 =	simm.s32 $0x9;
	s28 =	simm.s32 $0x15400;
	s29 =	simm.s32 $0x3  }
0x4: {  	s30 =	simm.s32 $0x5;
	s31 =	simm.s32 $0x8;
	s1 =	sand.u32 $0x1, s1  }
0x5: {  	s3 =	sshll.u32 s11, $0x1;
	[smem:$0x7FF] =	sst s2;
	s19 =	smul.u32 $0xC800, s11  }
0x6: {  	s4 =	sor.u32 s1, s3;
	s7 =	ssub.s32 $0x2, s1;
	s1 =	smul.u32 $0x6400, s1  }
0x7: {  	_ =	strace $0x80000047;
	s3 =	sadd.s32 $0x400, s0;
	s6 =	smul.u32 $0x6400, s4  }
0x8: {  	s0 =	sadd.s32 $0x7A8400, s0;
	s8 =	smul.u32 $0x32000, s4;
	s9 =	sshrl.u32 s7, $0x1  }
0x9: {  	s10 =	smul.u32 $0x190000, s4;
	s7 =	ssub.s32 s7, s9;
	s6 =	sshrl.u32 s6, $0x3  }
0xa: {  	s1 =	sadd.s32 s1, s19;
	s4 =	sadd.s32 s0, s8;
	s5 =	sadd.s32 s5, s6  }
0xb: {  	s19 =	simm.s32 $0x140;
	s20 =	sadd.s32 $0xA00, s4;
	[dreg:$0x3] =	wrdreg s5  }
0xc: {  	s21 =	sshrl.u32 s10, $0x3;
	s22 =	sadd.s32 $0x1400, s4;
	[dreg:$0x4] =	wrdreg s20  }
0xd: {  	s1 =	sshll.u32 s1, $0x3;
	s23 =	sadd.s32 $0x1E00, s4;
	[dreg:$0x5] =	wrdreg s22  }
0xe: {  	s13 =	smax.u32 s7, $0x1;
	s5 =	sadd.s32 s0, s21;
	[dreg:$0x6] =	wrdreg s23  }
0xf: {  	s0 =	sadd.s32 s0, s1;
	s20 =	simm.s32 $0x6400;
	s21 =	simm.s32 $0xB400  }
0x10: {  	s22 =	simm.s32 $0x1;
	s1 =	simm.s32 $0x4;
	s23 =	simm.s32 $0x0  }
0x11: {  	s24 =	sadd.s32 $0x2F800, s5;
	s25 =	sadd.s32 $0x30200, s5;
	s26 =	sadd.s32 $0x30C00, s5  }
0x12: {  	s12 =	sadd.s32 $0x31600, s5;
	s14 =	sadd.s32 $0x3200, s0;
	[dreg:$0x7] =	wrdreg s24  }
0x13: {  	s15 =	sadd.s32 $0x4600, s0;
	s16 =	sadd.s32 $0x3C00, s0;
	[dreg:$0x8] =	wrdreg s25  }
0x14: {  	s17 =	sadd.s32 $0x2800, s0;
	s0 =	simm.s32 $0x6;
	[dreg:$0x9] =	wrdreg s26  }
0x15: {  	s24 =	simm.s32 $0x10400;
	s25 =	simm.s32 $0x2;
	s26 =	simm.s32 $0x7  }
.LBB2_1:
0x16: {  	s5 =	rddreg [dreg:$0x3]  }
0x17: {  	[tilespmem:s2], [sflag:$0x9] =	stream.linear.gather [hbm4b:s5+s2], $0x6400, $0x38;
	[tilespmem:$0x1A400] =	vst v63  }
0x18: {  	_ =	swait.ge [sflag:s18], $0x6400  }
0x19: {  	[sflag:s18] =	ssyncset.done $0x0  }
0x1a: {  	s6 =	simm.s32 $0x40;
	s5 =	simm.s32 $0x0;
	[sflag:s18] =	ssyncadd.s32 $0xFFFF9C00  }
.LBB2_2:
0x1b: {  	p0 =	sne.s32 s6, $0x18FC0;
	v0 =	vld [tilespmem:s5+$0x0];
	_ =	sdelay $0x4  }
.Ltmp0:
0x1c: {  	v1 =	vshll.u32 v0, $0x1;
	(pc) =	sbr.rel @p0 .LBB2_2-.Ltmp0, $4  }
0x1d: {  	v2 =	vand.u32 $0xFFFFFF80, v0;
	v0 =	vshrl.u32 v0, $0x6;
	v1 =	vand.u32 $0x7E, v1  }
0x1e: {  	v0 =	vand.u32 $0x1, v0;
	v1 =	vor.u32 v2, v1  }
0x1f: {  	v0 =	vor.u32 v0, v1  }
0x20: {  	[tilespmem:s5+$0x0] =	vst v0;
	s5 =	sshra.s32 s6, $0x2;
	s6 =	sadd.s32 $0x40, s6  }
0x21: {  	v0 =	vld [tilespmem:s5+$0x0];
	_ =	sdelay $0x4  }
0x22: {  	v1 =	vshll.u32 v0, $0x1  }
0x23: {  	v2 =	vand.u32 $0xFFFFFF80, v0;
	v0 =	vshrl.u32 v0, $0x6;
	v1 =	vand.u32 $0x7E, v1  }
0x24: {  	v0 =	vand.u32 $0x1, v0;
	v1 =	vor.u32 v2, v1  }
0x25: {  	v0 =	vor.u32 v0, v1  }
0x26: {  	[tilespmem:s5+$0x0] =	vst v0;
	s5 =	simm.s32 $0x0  }
0x27: {  	[tilespmem:s20], [sflag:$0x1] =	stream.indirect.gather [hbm4b:s3+s19], $0x40, s5, s19, $0xb8;
	[tilespmem:$0x1A400] =	vst v63  }
0x28: {  	_ = 	snop  }
0x29: {  	[tilespmem:s21], [sflag:$0x2] =	stream.indirect.gather [hbm4b:s3+s19], $0x40, s19, s19, $0xb8;
	[tilespmem:$0x1A400] =	vst v63  }
0x2a: {  	_ =	swait.ge [sflag:s22], $0x5000  }
0x2b: {  	[sflag:s22] =	ssyncset.done $0x0  }
0x2c: {  	[sflag:s22] =	ssyncadd.s32 $0xFFFFB000  }
0x2d: {  	[hbm4b:s4+s5] =	stream.linear.scatter [tilespmem:s20], [sflag:$0x5], $0x5000, $0x38;
	[tilespmem:$0x1A400] =	vst v63  }
0x2e: {  	s6 =	simm.s32 $0x280  }
0x2f: {  	[tilespmem:s24], [sflag:$0x3] =	stream.indirect.gather [hbm4b:s3+s19], $0x40, s6, s19, $0xb8;
	[tilespmem:$0x1A400] =	vst v63  }
0x30: {  	_ =	swait.ge [sflag:s25], $0x5000  }
0x31: {  	[sflag:s25] =	ssyncset.done $0x0  }
0x32: {  	s8 =	rddreg [dreg:$0x4];
	[sflag:s25] =	ssyncadd.s32 $0xFFFFB000  }
0x33: {  	[hbm4b:s8+s5] =	stream.linear.scatter [tilespmem:s21], [sflag:$0x6], $0x5000, $0x38;
	[tilespmem:$0x1A400] =	vst v63  }
0x34: {  	s9 =	simm.s32 $0x3C0  }
0x35: {  	[tilespmem:s28], [sflag:$0x4] =	stream.indirect.gather [hbm4b:s3+s19], $0x40, s9, s19, $0xb8;
	[tilespmem:$0x1A400] =	vst v63  }
0x36: {  	_ =	swait.ge [sflag:s29], $0x5000  }
0x37: {  	[sflag:s29] =	ssyncset.done $0x0  }
0x38: {  	s10 =	rddreg [dreg:$0x5];
	[sflag:s29] =	ssyncadd.s32 $0xFFFFB000  }
0x39: {  	[hbm4b:s10+s5] =	stream.linear.scatter [tilespmem:s24], [sflag:$0x7], $0x5000, $0x38;
	[tilespmem:$0x1A400] =	vst v63  }
0x3a: {  	_ =	swait.ge [sflag:s30], $0x5000  }
0x3b: {  	[sflag:s30] =	ssyncset.done $0x0  }
0x3c: {  	s11 =	simm.s32 $0x500;
	[sflag:s30] =	ssyncadd.s32 $0xFFFFB000  }
0x3d: {  	[tilespmem:s20], [sflag:$0x1] =	stream.indirect.gather [hbm4b:s3+s19], $0x40, s11, s19, $0xb8;
	[tilespmem:$0x1A400] =	vst v63  }
0x3e: {  	_ =	swait.ge [sflag:s1], $0x5000  }
0x3f: {  	[sflag:s1] =	ssyncset.done $0x0  }
0x40: {  	s7 =	rddreg [dreg:$0x6];
	[sflag:s1] =	ssyncadd.s32 $0xFFFFB000  }
0x41: {  	[hbm4b:s7+s5] =	stream.linear.scatter [tilespmem:s28], [sflag:$0x8], $0x5000, $0x38;
	[tilespmem:$0x1A400] =	vst v63  }
0x42: {  	_ =	swait.ge [sflag:s0], $0x5000  }
0x43: {  	[sflag:s0] =	ssyncset.done $0x0  }
0x44: {  	s8 =	simm.s32 $0x640;
	[sflag:s0] =	ssyncadd.s32 $0xFFFFB000  }
0x45: {  	[tilespmem:s21], [sflag:$0x2] =	stream.indirect.gather [hbm4b:s3+s19], $0x40, s8, s19, $0xb8;
	[tilespmem:$0x1A400] =	vst v63  }
0x46: {  	_ =	swait.ge [sflag:s22], $0x5000  }
0x47: {  	[sflag:s22] =	ssyncset.done $0x0  }
0x48: {  	[sflag:s22] =	ssyncadd.s32 $0xFFFFB000  }
0x49: {  	[hbm4b:s17+s2] =	stream.linear.scatter [tilespmem:s20], [sflag:$0x5], $0x5000, $0x38;
	[tilespmem:$0x1A400] =	vst v63  }
0x4a: {  	_ =	swait.ge [sflag:s26], $0x5000  }
0x4b: {  	[sflag:s26] =	ssyncset.done $0x0  }
0x4c: {  	s9 =	simm.s32 $0x780;
	[sflag:s26] =	ssyncadd.s32 $0xFFFFB000  }
0x4d: {  	[tilespmem:s24], [sflag:$0x3] =	stream.indirect.gather [hbm4b:s3+s19], $0x40, s9, s19, $0xb8;
	[tilespmem:$0x1A400] =	vst v63  }
0x4e: {  	_ =	swait.ge [sflag:s25], $0x5000  }
0x4f: {  	[sflag:s25] =	ssyncset.done $0x0  }
0x50: {  	[sflag:s25] =	ssyncadd.s32 $0xFFFFB000  }
0x51: {  	[hbm4b:s14+s2] =	stream.linear.scatter [tilespmem:s21], [sflag:$0x6], $0x5000, $0x38;
	[tilespmem:$0x1A400] =	vst v63  }
0x52: {  	_ =	swait.ge [sflag:s31], $0x5000  }
0x53: {  	[sflag:s31] =	ssyncset.done $0x0  }
0x54: {  	s10 =	simm.s32 $0x8C0;
	[sflag:s31] =	ssyncadd.s32 $0xFFFFB000  }
0x55: {  	[tilespmem:s28], [sflag:$0x4] =	stream.indirect.gather [hbm4b:s3+s19], $0x40, s10, s19, $0xb8;
	[tilespmem:$0x1A400] =	vst v63  }
0x56: {  	_ =	swait.ge [sflag:s29], $0x5000  }
0x57: {  	[sflag:s29] =	ssyncset.done $0x0  }
0x58: {  	[sflag:s29] =	ssyncadd.s32 $0xFFFFB000  }
0x59: {  	[hbm4b:s16+s2] =	stream.linear.scatter [tilespmem:s24], [sflag:$0x7], $0x5000, $0x38;
	[tilespmem:$0x1A400] =	vst v63  }
0x5a: {  	_ =	swait.ge [sflag:s30], $0x5000  }
0x5b: {  	[sflag:s30] =	ssyncset.done $0x0  }
0x5c: {  	s11 =	simm.s32 $0xA00;
	[sflag:s30] =	ssyncadd.s32 $0xFFFFB000  }
0x5d: {  	[tilespmem:s20], [sflag:$0x1] =	stream.indirect.gather [hbm4b:s3+s19], $0x40, s11, s19, $0xb8;
	[tilespmem:$0x1A400] =	vst v63  }
0x5e: {  	_ =	swait.ge [sflag:s1], $0x5000  }
0x5f: {  	[sflag:s1] =	ssyncset.done $0x0  }
0x60: {  	[sflag:s1] =	ssyncadd.s32 $0xFFFFB000  }
0x61: {  	[hbm4b:s15+s2] =	stream.linear.scatter [tilespmem:s28], [sflag:$0x8], $0x5000, $0x38;
	[tilespmem:$0x1A400] =	vst v63  }
0x62: {  	s6 =	sadd.s32 $0x2800, s17;
	s5 =	simm.s32 $0x1400;
	_ =	swait.ge [sflag:s0], $0x5000  }
0x63: {  	s7 =	sadd.s32 $0x2800, s15;
	s8 =	sadd.s32 $0x2800, s16;
	[sflag:s0] =	ssyncset.done $0x0  }
0x64: {  	s9 =	sadd.s32 $0x2800, s14;
	s10 =	simm.s32 $0xB40;
	[sflag:s0] =	ssyncadd.s32 $0xFFFFB000  }
.LBB2_4:
0x65: {  	[tilespmem:s21], [sflag:$0x2] =	stream.indirect.gather [hbm4b:s3+s19], $0x40, s10, s19, $0xb8;
	[tilespmem:$0x1A400] =	vst v63  }
0x66: {  	s10 =	smov.u32 s5  }
0x67: {  	p0 =	sne.s32 s5, $0x15400;
	s5 =	sadd.s32 $0x1400, s5;
	_ =	swait.ge [sflag:s22], $0x5000  }
0x68: {  	[sflag:s22] =	ssyncset.done $0x0  }
0x69: {  	[sflag:s22] =	ssyncadd.s32 $0xFFFFB000  }
0x6a: {  	[hbm4b:s6+s2] =	stream.linear.scatter [tilespmem:s20], [sflag:$0x5], $0x5000, $0x38;
	[tilespmem:$0x1A400] =	vst v63  }
0x6b: {  	_ =	swait.ge [sflag:s26], $0x5000  }
0x6c: {  	s10 =	sshra.s32 s10, $0x2;
	[sflag:s26] =	ssyncset.done $0x0  }
0x6d: {  	s11 =	sadd.s32 $0x780, s10;
	[sflag:s26] =	ssyncadd.s32 $0xFFFFB000  }
0x6e: {  	[tilespmem:s24], [sflag:$0x3] =	stream.indirect.gather [hbm4b:s3+s19], $0x40, s11, s19, $0xb8;
	[tilespmem:$0x1A400] =	vst v63  }
0x6f: {  	_ =	swait.ge [sflag:s25], $0x5000  }
0x70: {  	[sflag:s25] =	ssyncset.done $0x0  }
0x71: {  	[sflag:s25] =	ssyncadd.s32 $0xFFFFB000  }
0x72: {  	[hbm4b:s9+s2] =	stream.linear.scatter [tilespmem:s21], [sflag:$0x6], $0x5000, $0x38;
	[tilespmem:$0x1A400] =	vst v63  }
0x73: {  	_ =	swait.ge [sflag:s31], $0x5000  }
0x74: {  	[sflag:s31] =	ssyncset.done $0x0  }
0x75: {  	s11 =	sadd.s32 $0x8C0, s10;
	[sflag:s31] =	ssyncadd.s32 $0xFFFFB000  }
0x76: {  	[tilespmem:s28], [sflag:$0x4] =	stream.indirect.gather [hbm4b:s3+s19], $0x40, s11, s19, $0xb8;
	[tilespmem:$0x1A400] =	vst v63  }
0x77: {  	_ =	swait.ge [sflag:s29], $0x5000  }
0x78: {  	[sflag:s29] =	ssyncset.done $0x0  }
0x79: {  	[sflag:s29] =	ssyncadd.s32 $0xFFFFB000  }
0x7a: {  	[hbm4b:s8+s2] =	stream.linear.scatter [tilespmem:s24], [sflag:$0x7], $0x5000, $0x38;
	[tilespmem:$0x1A400] =	vst v63  }
0x7b: {  	_ =	swait.ge [sflag:s30], $0x5000  }
0x7c: {  	[sflag:s30] =	ssyncset.done $0x0  }
0x7d: {  	s11 =	sadd.s32 $0xA00, s10;
	[sflag:s30] =	ssyncadd.s32 $0xFFFFB000  }
0x7e: {  	[tilespmem:s20], [sflag:$0x1] =	stream.indirect.gather [hbm4b:s3+s19], $0x40, s11, s19, $0xb8;
	[tilespmem:$0x1A400] =	vst v63  }
0x7f: {  	_ =	swait.ge [sflag:s1], $0x5000  }
0x80: {  	[sflag:s1] =	ssyncset.done $0x0  }
.Ltmp1:
0x81: {  	[sflag:s1] =	ssyncadd.s32 $0xFFFFB000;
	(pc) =	sbr.rel @p0 .LBB2_4-.Ltmp1, $4  }
0x82: {  	[hbm4b:s7+s2] =	stream.linear.scatter [tilespmem:s28], [sflag:$0x8], $0x5000, $0x38;
	[tilespmem:$0x1A400] =	vst v63  }
0x83: {  	s6 =	sadd.s32 $0x2800, s6;
	_ =	swait.ge [sflag:s0], $0x5000  }
0x84: {  	s8 =	sadd.s32 $0x2800, s8;
	s7 =	sadd.s32 $0x2800, s7;
	[sflag:s0] =	ssyncset.done $0x0  }
0x85: {  	s9 =	sadd.s32 $0x2800, s9;
	s10 =	sadd.s32 $0xB40, s10;
	[sflag:s0] =	ssyncadd.s32 $0xFFFFB000  }
0x86: {  	[tilespmem:s21], [sflag:$0x2] =	stream.indirect.gather [hbm4b:s3+s19], $0x40, s10, s19, $0xb8;
	[tilespmem:$0x1A400] =	vst v63  }
0x87: {  	_ =	swait.ge [sflag:s22], $0x5000  }
0x88: {  	[sflag:s22] =	ssyncset.done $0x0  }
0x89: {  	s5 =	rddreg [dreg:$0x7];
	[sflag:s22] =	ssyncadd.s32 $0xFFFFB000  }
0x8a: {  	[hbm4b:s5+s2] =	stream.linear.scatter [tilespmem:s20], [sflag:$0x5], $0x5000, $0x38;
	[tilespmem:$0x1A400] =	vst v63  }
0x8b: {  	_ =	swait.ge [sflag:s26], $0x5000  }
0x8c: {  	[sflag:s26] =	ssyncset.done $0x0  }
0x8d: {  	s8 =	simm.s32 $0x6180;
	[sflag:s26] =	ssyncadd.s32 $0xFFFFB000  }
0x8e: {  	[tilespmem:s24], [sflag:$0x3] =	stream.indirect.gather [hbm4b:s3+s19], $0x40, s8, s19, $0xb8;
	[tilespmem:$0x1A400] =	vst v63  }
0x8f: {  	_ =	swait.ge [sflag:s25], $0x5000  }
0x90: {  	[sflag:s25] =	ssyncset.done $0x0  }
0x91: {  	s9 =	rddreg [dreg:$0x8];
	[sflag:s25] =	ssyncadd.s32 $0xFFFFB000  }
0x92: {  	[hbm4b:s9+s2] =	stream.linear.scatter [tilespmem:s21], [sflag:$0x6], $0x5000, $0x38;
	[tilespmem:$0x1A400] =	vst v63  }
0x93: {  	_ =	swait.ge [sflag:s31], $0x5000  }
0x94: {  	[sflag:s31] =	ssyncset.done $0x0  }
0x95: {  	s10 =	simm.s32 $0x62C0;
	[sflag:s31] =	ssyncadd.s32 $0xFFFFB000  }
0x96: {  	[tilespmem:s28], [sflag:$0x4] =	stream.indirect.gather [hbm4b:s3+s19], $0x40, s10, s19, $0xb8;
	[tilespmem:$0x1A400] =	vst v63  }
0x97: {  	_ =	swait.ge [sflag:s29], $0x5000  }
0x98: {  	[sflag:s29] =	ssyncset.done $0x0  }
0x99: {  	s11 =	rddreg [dreg:$0x9];
	[sflag:s29] =	ssyncadd.s32 $0xFFFFB000  }
0x9a: {  	[hbm4b:s11+s2] =	stream.linear.scatter [tilespmem:s24], [sflag:$0x7], $0x5000, $0x38;
	[tilespmem:$0x1A400] =	vst v63  }
0x9b: {  	_ =	swait.ge [sflag:s1], $0x5000  }
0x9c: {  	[sflag:s1] =	ssyncset.done $0x0  }
0x9d: {  	[sflag:s1] =	ssyncadd.s32 $0xFFFFB000  }
0x9e: {  	[hbm4b:s12+s2] =	stream.linear.scatter [tilespmem:s28], [sflag:$0x8], $0x5000, $0x38;
	[tilespmem:$0x1A400] =	vst v63  }
0x9f: {  	_ =	swait.ge [sflag:s30], $0x5000  }
0xa0: {  	[sflag:s30] =	ssyncset.done $0x0  }
0xa1: {  	[sflag:s30] =	ssyncadd.s32 $0xFFFFB000  }
0xa2: {  	_ =	swait.ge [sflag:s0], $0x5000  }
0xa3: {  	[sflag:s0] =	ssyncset.done $0x0  }
0xa4: {  	s23 =	sadd.s32 $0x1, s23;
	[sflag:s0] =	ssyncadd.s32 $0xFFFFB000  }
0xa5: {  	p0 =	sne.s32 s23, s13;
	_ =	swait.ge [sflag:s26], $0x5000  }
.Ltmp2:
0xa6: {  	[sflag:s26] =	ssyncset.done $0x0;
	(pc) =	sbr.rel @p0 .LBB2_1-.Ltmp2, $4  }
0xa7: {  	[sflag:s26] =	ssyncadd.s32 $0xFFFFB000  }
0xa8: {  	_ =	swait.ge [sflag:s31], $0x5000  }
0xa9: {  	[sflag:s31] =	ssyncset.done $0x0  }
0xaa: {  	[sflag:s31] =	ssyncadd.s32 $0xFFFFB000  }
0xab: {  	_ =	sfence.sel $0x180000  }
0xac: {  	[bflag:$0x0] =	sbarrier.arrive $0xFFFF  }
0xad: {  	_ =	strace $0x90000047  }
0xae: {  	s0 =	stileid.u32;
	[bflag:$0x2] =	sbarrier.arrive $0xFFFF  }
0xaf: {  	p0 =	sne.s32 s0, $0x0;
	s0 =	rddreg [dreg:$0x2]  }
0xb0: {  	s0 =	sadd.s32 @!p0 $0x100000, s0  }
0xb1: {  	[sflag:s0] =	ssyncadd.tile.s32 @!p0 $0x1;
	_ =	shalt  }
.Lfunc_end2:
_tile_overlayer_lowered:
.L_overlay_start_2:
0xb2: {  	(tag) =	ssettag $0x2  }
0xb3: {  	s0 =	rddreg [dreg:$0x0];
	s2 =	stileid.u32  }
0xb4: {  	s1 =	rddreg [dreg:$0x1];
	p0 =	sne.s32 s2, $0x0  }
0xb5: {  	s3 =	rddreg [dreg:$0x2];
	[bflag:$0x3] =	sbarrier.arrive $0xFFFF;
	s2 =	simm.s32 @!p0 $0x1C09  }
0xb6: {  	[timem:s3], [sflag:s2] =	dma.local @!p0 [hbm:s0], s1  }
0xb7: {  	s0 =	simm.s32 @!p0 $0x9  }
0xb8: {  	_ =	swait.ge @!p0 [sflag:s0], s1  }
0xb9: {  	s1 =	ssub.s32 @!p0 $0x0, s1;
	[sflag:s0] =	ssyncset.done @!p0 $0x0  }
0xba: {  	[sflag:s0] =	ssyncadd.s32 @!p0 s1  }
0xbb: {  	[bflag:$0x3] =	sbarrier.arrive $0xFFFF  }
0xbc: {  	_ =	shalt  }

</sc_bundles>
